<compile_context>
chip_gen: v7x
topology: tpu7x:2x2x1
jax: 0.10.2.dev20260603
libtpu: 0.0.44.dev20260713+nightly
codegen_flags: <defaults>
</compile_context>

<pallas_src>
import functools

import jax
import jax.numpy as jnp
from jax.experimental import pallas as pl

_EPS = 1e-5
_MAX_NN = 64


def _fps_body(posT_ref, posN_ref, pos_y_ref, *, n_s, N, coff):
    R = N // 128
    x0 = posT_ref[0]
    x1 = posT_ref[1]
    x2 = posT_ref[2]
    iota = (jax.lax.broadcasted_iota(jnp.int32, (R, 128), 0) * 128
            + jax.lax.broadcasted_iota(jnp.int32, (R, 128), 1))

    def body(i, carry):
        dists, nxt_prev = carry
        p_row = posN_ref[pl.ds(nxt_prev, 1), :]
        pos_y_ref[pl.ds(i - 1, 1), :] = p_row
        p0 = p_row[0, coff]
        p1 = p_row[0, coff + 1]
        p2 = p_row[0, coff + 2]
        d = (x0 - p0) ** 2 + (x1 - p1) ** 2 + (x2 - p2) ** 2
        dists = jnp.minimum(dists, d)
        m = jnp.max(dists)
        nxt = jnp.min(jnp.where(dists == m, iota, N))
        return (dists, nxt)

    dists0 = jnp.full((R, 128), jnp.inf, dtype=jnp.float32)
    _, nxt_last = jax.lax.fori_loop(1, n_s, body, (dists0, jnp.int32(0)))
    pos_y_ref[pl.ds(n_s - 1, 1), :] = posN_ref[pl.ds(nxt_last, 1), :]


def _fps_pallas(posT, posN, n_s, coff):
    N, W = posN.shape
    return pl.pallas_call(
        functools.partial(_fps_body, n_s=n_s, N=N, coff=coff),
        out_shape=jax.ShapeDtypeStruct((n_s, W), jnp.float32),
    )(posT, posN)


def _bn_stack(layers, h, mask=None):
    for (W, b, g, bt) in layers:
        h = jnp.maximum(h @ W + b, 0.0)
        if mask is None:
            mean = jnp.mean(h, axis=0)
            var = jnp.mean((h - mean) ** 2, axis=0)
        else:
            m = mask[:, None].astype(h.dtype)
            cnt = jnp.maximum(jnp.sum(m), 1.0)
            mean = jnp.sum(h * m, axis=0) / cnt
            var = jnp.sum(((h - mean) ** 2) * m, axis=0) / cnt
        h = (h - mean) * jax.lax.rsqrt(var + _EPS) * g + bt
    return h


def _radius_v0(pos_x, pos_y, r, max_nn):
    px = jax.lax.stop_gradient(pos_x)
    py = jax.lax.stop_gradient(pos_y)
    d2 = (jnp.sum(py ** 2, axis=1)[:, None] + jnp.sum(px ** 2, axis=1)[None, :]
          - 2.0 * (py @ px.T))
    valid = d2 <= r * r
    Nx = px.shape[0]
    Ny = py.shape[0]
    score = jnp.where(valid, -jnp.arange(Nx, dtype=jnp.float32)[None, :], -jnp.inf)
    top_s, top_i = jax.lax.top_k(score, max_nn)
    row = jnp.repeat(jnp.arange(Ny, dtype=jnp.int32), max_nn)
    col = top_i.reshape(-1).astype(jnp.int32)
    mask = (top_s > -jnp.inf).reshape(-1)
    return row, col, mask


def _fps_ref(pos, n_samples):
    pos = jax.lax.stop_gradient(pos)
    N = pos.shape[0]
    idxs = jnp.zeros((n_samples,), dtype=jnp.int32)
    dists = jnp.full((N,), jnp.inf, dtype=jnp.float32)

    def body(i, carry):
        dists, idxs = carry
        last = idxs[i - 1]
        d = jnp.sum((pos - pos[last]) ** 2, axis=1)
        dists = jnp.minimum(dists, d)
        nxt = jnp.argmax(dists).astype(jnp.int32)
        idxs = idxs.at[i].set(nxt)
        return (dists, idxs)

    _, idxs = jax.lax.fori_loop(1, n_samples, body, (dists, idxs))
    return idxs


def _sa_v0(x, pos, ratio, r, layers):
    N = pos.shape[0]
    n_s = int(N * ratio)
    posT = pos.T.reshape(3, N // 128, 128)
    posN = jnp.concatenate([pos, pos, jnp.zeros((N, 10), jnp.float32)], axis=1)
    pos_y = _fps_pallas(posT, posN, n_s, 0)[:, 0:3]
    row, col, mask = _radius_v0(pos, pos_y, r, _MAX_NN)
    msg_in = jnp.concatenate([x[col], pos[col] - pos_y[row]], axis=1)
    msg = _bn_stack(layers, msg_in, mask=mask)
    msg = jnp.where(mask[:, None], msg, -jnp.inf)
    out = jax.ops.segment_max(msg, row, num_segments=n_s)
    out = jnp.where(jnp.isfinite(out), out, 0.0)
    return out, pos_y


def _dot(a, b):
    return jax.lax.dot_general(a, b, (((a.ndim - 1,), (0,)), ((), ())),
                               precision=jax.lax.Precision.HIGHEST)


def _head_kernel(h_ref, g_ref, w1_ref, b1_ref, w2_ref, b2_ref, w3_ref, b3_ref, o_ref):
    h = jnp.max(h_ref[...], axis=0, keepdims=True)
    hg = jnp.concatenate([h, g_ref[...]], axis=1)
    o = jnp.maximum(_dot(hg, w1_ref[...]) + b1_ref[...], 0.0)
    o = jnp.maximum(_dot(o, w2_ref[...]) + b2_ref[...], 0.0)
    o_ref[...] = _dot(o, w3_ref[...]) + b3_ref[...]


def kernel(x, pos, batch, y, params):
    N = x.shape[0]
    perm = jax.random.permutation(jax.random.key(42), N)
    x = x[perm]
    pos = pos[perm]
    x1, pos1 = _sa_v0(x, pos, 0.5, 0.2, params['sa1'])
    x1 = x1[: N // 4]
    pos1 = pos1[: N // 4]
    x2, pos2 = _sa_v0(x1, pos1, 0.25, 0.4, params['sa2'])
    x2 = x2[: N // 16]
    pos2 = pos2[: N // 16]
    h = _bn_stack(params['sa3'], jnp.concatenate([x2, pos2], axis=1))
    out = jnp.max(h, axis=0, keepdims=True)
    out = out[: N // 64]
    g = y[:, 1:5].reshape(-1, 4)
    out = jnp.concatenate([out, g], axis=1)
    W1, b1 = params['lin1']
    out = jnp.maximum(out @ W1 + b1, 0.0)
    W2, b2 = params['lin2']
    out = jnp.maximum(out @ W2 + b2, 0.0)
    W3, b3 = params['lin3']
    out = out @ W3 + b3
    return out.reshape(-1)

# --- scband reference (transcript-rebuilt; emitter-appended) ---
"""Pipeline reference for scband-net-39831526703826 (READ-ONLY COPY).

The authoritative reference and input builder live on the scoring server;
editing this copy changes nothing except your own understanding.
"""

import jax, jax.numpy as jnp
import numpy as np

EPS = 1e-5
MAX_NN = 64


def _mk_mlp(key, channels, scale=0.1):
    layers = []
    for i in range(1, len(channels)):
        key, k1 = jax.random.split(key)
        W = jax.random.normal(k1, (channels[i - 1], channels[i]), dtype=jnp.float32) * scale
        b = jnp.zeros((channels[i],), jnp.float32)
        g = jnp.ones((channels[i],), jnp.float32)
        bt = jnp.zeros((channels[i],), jnp.float32)
        layers.append((W, b, g, bt))
    return layers


def setup_inputs(seed: int = 0):
    key = jax.random.key(seed)
    k = jax.random.split(key, 8)
    N = 8192
    F_LOCAL = 3
    F_GLOBAL = 4
    x = jax.random.normal(k[0], (N, F_LOCAL), dtype=jnp.float32)
    pos = jax.random.uniform(k[1], (N, 3), dtype=jnp.float32)
    batch = jnp.zeros((N,), dtype=jnp.int32)
    y = jax.random.normal(k[2], (1, 1 + F_GLOBAL), dtype=jnp.float32)
    params = {
        'sa1': _mk_mlp(k[3], [3 + F_LOCAL, 32, 32, 64]),
        'sa2': _mk_mlp(k[4], [64 + 3, 64, 64, 128]),
        'sa3': _mk_mlp(k[5], [128 + 3, 128, 256, 512]),
        'lin1': (jax.random.normal(k[6], (512 + F_GLOBAL, 256), dtype=jnp.float32) * 0.05, jnp.zeros((256,), jnp.float32)),
        'lin2': (jax.random.normal(jax.random.fold_in(k[6], 1), (256, 128), dtype=jnp.float32) * 0.05, jnp.zeros((128,), jnp.float32)),
        'lin3': (jax.random.normal(jax.random.fold_in(k[6], 2), (128, 1), dtype=jnp.float32) * 0.05, jnp.zeros((1,), jnp.float32)),
    }
    return {'x': x, 'pos': pos, 'batch': batch, 'y': y, 'params': params}


def _bn_mlp(layers, h, mask=None):
    # Seq(Lin, ReLU, BatchNorm1d) stack; BN in train mode (batch statistics),
    # masked to valid edges when a mask is given.
    for (W, b, g, bt) in layers:
        h = jnp.maximum(h @ W + b, 0.0)
        if mask is None:
            mean = jnp.mean(h, axis=0)
            var = jnp.mean((h - mean) ** 2, axis=0)
        else:
            m = mask[:, None].astype(h.dtype)
            cnt = jnp.maximum(jnp.sum(m), 1.0)
            mean = jnp.sum(h * m, axis=0) / cnt
            var = jnp.sum(((h - mean) ** 2) * m, axis=0) / cnt
        h = (h - mean) * jax.lax.rsqrt(var + EPS) * g + bt
    return h


def _fps(pos, n_samples):
    # farthest point sampling, deterministic start at index 0
    pos = jax.lax.stop_gradient(pos)
    N = pos.shape[0]
    idxs = jnp.zeros((n_samples,), dtype=jnp.int32)
    dists = jnp.full((N,), jnp.inf, dtype=jnp.float32)

    def body(i, carry):
        dists, idxs = carry
        last = idxs[i - 1]
        d = jnp.sum((pos - pos[last]) ** 2, axis=1)
        dists = jnp.minimum(dists, d)
        nxt = jnp.argmax(dists).astype(jnp.int32)
        idxs = idxs.at[i].set(nxt)
        return (dists, idxs)

    _, idxs = jax.lax.fori_loop(1, n_samples, body, (dists, idxs))
    return idxs


def _radius(pos_x, pos_y, r, max_nn):
    # for each query in pos_y, up to max_nn points of pos_x within radius r
    px = jax.lax.stop_gradient(pos_x)
    py = jax.lax.stop_gradient(pos_y)
    d2 = jnp.sum(py ** 2, axis=1)[:, None] + jnp.sum(px ** 2, axis=1)[None, :] - 2.0 * (py @ px.T)
    valid = d2 <= r * r
    Nx = px.shape[0]
    Ny = py.shape[0]
    score = jnp.where(valid, -jnp.arange(Nx, dtype=jnp.float32)[None, :], -jnp.inf)
    top_s, top_i = jax.lax.top_k(score, max_nn)
    row = jnp.repeat(jnp.arange(Ny, dtype=jnp.int32), max_nn)
    col = top_i.reshape(-1).astype(jnp.int32)
    mask = (top_s > -jnp.inf).reshape(-1)
    return row, col, mask


def _sa_module(x, pos, ratio, r, layers):
    N = pos.shape[0]
    n_s = int(N * ratio)
    idx = _fps(pos, n_s)
    pos_y = pos[idx]
    row, col, mask = _radius(pos, pos_y, r, MAX_NN)
    msg_in = jnp.concatenate([x[col], pos[col] - pos_y[row]], axis=1)
    msg = _bn_mlp(layers, msg_in, mask=mask)
    msg = jnp.where(mask[:, None], msg, -jnp.inf)
    out = jax.ops.segment_max(msg, row, num_segments=n_s)
    out = jnp.where(jnp.isfinite(out), out, 0.0)
    return out, pos_y


def _forward(x, pos, batch, y, params):
    N = x.shape[0]
    perm = jax.random.permutation(jax.random.key(42), N)
    x = x[perm]
    pos = pos[perm]
    x1, pos1 = _sa_module(x, pos, 0.5, 0.2, params['sa1'])
    x1 = x1[: N // 4]
    pos1 = pos1[: N // 4]
    x2, pos2 = _sa_module(x1, pos1, 0.25, 0.4, params['sa2'])
    x2 = x2[: N // 16]
    pos2 = pos2[: N // 16]
    h = _bn_mlp(params['sa3'], jnp.concatenate([x2, pos2], axis=1))
    out = jnp.max(h, axis=0, keepdims=True)  # global_max_pool, single cloud (batch all zeros)
    out = out[: N // 64]
    g = y[:, 1:5].reshape(-1, 4)
    out = jnp.concatenate([out, g], axis=1)
    W1, b1 = params['lin1']
    out = jnp.maximum(out @ W1 + b1, 0.0)
    W2, b2 = params['lin2']
    out = jnp.maximum(out @ W2 + b2, 0.0)
    W3, b3 = params['lin3']
    out = out @ W3 + b3
    return out.reshape(-1)


def reference(x, pos, batch, y, params):
    return _forward(x, pos, batch, y, params)

if __name__ == "__main__":
    import jax
    _d = setup_inputs()
    print(jax.jit(kernel)(*tuple(_d.values())))

</pallas_src>

<mosaic_0001>
module attributes {stable_mosaic.version = 14 : i64} {
  func.func @_fps_body(%arg0: memref<3x64x128xf32, #tpu.memory_space<vmem>>, %arg1: memref<8192x16xf32, #tpu.memory_space<vmem>>, %arg2: memref<4096x16xf32, #tpu.memory_space<vmem>>) attributes {dimension_semantics = [], scalar_prefetch = 0 : i64, scratch_operands = 0 : i64, tpu.core_type = #tpu.core_type<tc>} {
    %get3A = arith.constant 0 : index
    %get3A_0 = arith.constant 0 : index
    %get3A_1 = arith.constant 0 : index
    %get3A_2 = vector.load %arg0[%get3A, %get3A_0, %get3A_1] : memref<3x64x128xf32, #tpu.memory_space<vmem>>, vector<1x64x128xf32>
    %get3A_3 = vector.shape_cast %get3A_2 : vector<1x64x128xf32> to vector<64x128xf32>
    %get3A_4 = arith.constant 1 : index
    %get3A_5 = arith.constant 0 : index
    %get3A_6 = arith.constant 0 : index
    %get3A_7 = vector.load %arg0[%get3A_4, %get3A_5, %get3A_6] : memref<3x64x128xf32, #tpu.memory_space<vmem>>, vector<1x64x128xf32>
    %get3A_8 = vector.shape_cast %get3A_7 : vector<1x64x128xf32> to vector<64x128xf32>
    %get3A_9 = arith.constant 2 : index
    %get3A_10 = arith.constant 0 : index
    %get3A_11 = arith.constant 0 : index
    %get3A_12 = vector.load %arg0[%get3A_9, %get3A_10, %get3A_11] : memref<3x64x128xf32, #tpu.memory_space<vmem>>, vector<1x64x128xf32>
    %get3A_13 = vector.shape_cast %get3A_12 : vector<1x64x128xf32> to vector<64x128xf32>
    %iota3A = tpu.iota {dimensions = array<i32: 0>} : vector<64x128xi32>
    %mul3A = arith.constant 128 : i32
    %mul3A_14 = vector.broadcast %mul3A : i32 to vector<64x128xi32>
    %mul3A_15 = arith.muli %iota3A, %mul3A_14 : vector<64x128xi32>
    %iota3A_16 = tpu.iota {dimensions = array<i32: 1>} : vector<64x128xi32>
    %add3A = arith.addi %mul3A_15, %iota3A_16 : vector<64x128xi32>
    %broadcast_in_dim3A = arith.constant 0x7F800000 : f32
    %broadcast_in_dim3A_17 = vector.broadcast %broadcast_in_dim3A : f32 to vector<64x128xf32>
    %scan3A = arith.constant 0 : i32
    %scan3A_18 = arith.constant 1 : i32
    %scan3A_19 = arith.constant 4095 : i32
    %scan3A_20 = arith.addi %scan3A_18, %scan3A_19 : i32
    %scan3A_21 = arith.constant 1 : i32
    %scan3A_22:2 = scf.for %scan3A_29 = %scan3A_18 to %scan3A_20 step %scan3A_21 iter_args(%scan3A_30 = %broadcast_in_dim3A_17, %scan3A_31 = %scan3A) -> (vector<64x128xf32>, i32)  : i32 {
      %get3A_32 = arith.index_cast %scan3A_31 : i32 to index
      %get3A_33 = arith.constant 0 : index
      %get3A_34 = vector.load %arg1[%get3A_32, %get3A_33] : memref<8192x16xf32, #tpu.memory_space<vmem>>, vector<1x16xf32>
      %sub3A = arith.constant 1 : i32
      %sub3A_35 = arith.subi %scan3A_29, %sub3A : i32
      %swap3A_36 = arith.index_cast %sub3A_35 : i32 to index
      %swap3A_37 = arith.constant 0 : index
      %swap3A_38 = vector.load %arg2[%swap3A_36, %swap3A_37] : memref<4096x16xf32, #tpu.memory_space<vmem>>, vector<1x16xf32>
      tpu.vector_store %arg2[%swap3A_36, %swap3A_37], %get3A_34 {strides = array<i32>} : memref<4096x16xf32, #tpu.memory_space<vmem>>, vector<1x16xf32>,
      %slice3A = vector.extract_strided_slice %get3A_34 {offsets = [0, 0], sizes = [1, 1], strides = [1, 1]} : vector<1x16xf32> to vector<1x1xf32>
      %squeeze3A = vector.extract %slice3A[0, 0] : f32 from vector<1x1xf32>
      %slice3A_39 = vector.extract_strided_slice %get3A_34 {offsets = [0, 1], sizes = [1, 1], strides = [1, 1]} : vector<1x16xf32> to vector<1x1xf32>
      %squeeze3A_40 = vector.extract %slice3A_39[0, 0] : f32 from vector<1x1xf32>
      %slice3A_41 = vector.extract_strided_slice %get3A_34 {offsets = [0, 2], sizes = [1, 1], strides = [1, 1]} : vector<1x16xf32> to vector<1x1xf32>
      %squeeze3A_42 = vector.extract %slice3A_41[0, 0] : f32 from vector<1x1xf32>
      %sub3A_43 = vector.broadcast %squeeze3A : f32 to vector<64x128xf32>
      %sub3A_44 = arith.subf %get3A_3, %sub3A_43 : vector<64x128xf32>
      %integer_pow3A = arith.mulf %sub3A_44, %sub3A_44 : vector<64x128xf32>
      %sub3A_45 = vector.broadcast %squeeze3A_40 : f32 to vector<64x128xf32>
      %sub3A_46 = arith.subf %get3A_8, %sub3A_45 : vector<64x128xf32>
      %integer_pow3A_47 = arith.mulf %sub3A_46, %sub3A_46 : vector<64x128xf32>
      %add3A_48 = arith.addf %integer_pow3A, %integer_pow3A_47 : vector<64x128xf32>
      %sub3A_49 = vector.broadcast %squeeze3A_42 : f32 to vector<64x128xf32>
      %sub3A_50 = arith.subf %get3A_13, %sub3A_49 : vector<64x128xf32>
      %integer_pow3A_51 = arith.mulf %sub3A_50, %sub3A_50 : vector<64x128xf32>
      %add3A_52 = arith.addf %add3A_48, %integer_pow3A_51 : vector<64x128xf32>
      %min3A = arith.minimumf %scan3A_30, %add3A_52 : vector<64x128xf32>
      %reduce_max3A = vector.shape_cast %min3A : vector<64x128xf32> to vector<1x64x128xf32>
      %reduce_max3A_53 = arith.constant dense<0xFF800000> : vector<1xf32>
      %reduce_max3A_54 = vector.multi_reduction <maximumf>, %reduce_max3A, %reduce_max3A_53 [1, 2] : vector<1x64x128xf32> to vector<1xf32>
      %reduce_max3A_55 = vector.shape_cast %reduce_max3A_54 : vector<1xf32> to vector<1x1x1xf32>
      %reduce_max3A_56 = vector.extract %reduce_max3A_55[0, 0, 0] : f32 from vector<1x1x1xf32>
      %eq3A = vector.broadcast %reduce_max3A_56 : f32 to vector<64x128xf32>
      %eq3A_57 = arith.cmpf oeq, %min3A, %eq3A : vector<64x128xf32>
      %jit3A = arith.constant 8192 : i32
      %broadcast_in_dim3A_58 = vector.broadcast %jit3A : i32 to vector<64x128xi32>
      %select_n3A = arith.select %eq3A_57, %add3A, %broadcast_in_dim3A_58 : vector<64x128xi1>, vector<64x128xi32>
      %reduce_min3A = vector.shape_cast %select_n3A : vector<64x128xi32> to vector<1x64x128xi32>
      %reduce_min3A_59 = arith.constant dense<2147483647> : vector<1xi32>
      %reduce_min3A_60 = vector.multi_reduction <minsi>, %reduce_min3A, %reduce_min3A_59 [1, 2] : vector<1x64x128xi32> to vector<1xi32>
      %reduce_min3A_61 = vector.shape_cast %reduce_min3A_60 : vector<1xi32> to vector<1x1x1xi32>
      %reduce_min3A_62 = vector.extract %reduce_min3A_61[0, 0, 0] : i32 from vector<1x1x1xi32>
      scf.yield %min3A, %reduce_min3A_62 : vector<64x128xf32>, i32
    }
    %scan3A_23 = arith.constant 4095 : i32
    %get3A_24 = arith.index_cast %scan3A_22#1 : i32 to index
    %get3A_25 = arith.constant 0 : index
    %get3A_26 = vector.load %arg1[%get3A_24, %get3A_25] : memref<8192x16xf32, #tpu.memory_space<vmem>>, vector<1x16xf32>
    %swap3A = arith.constant 4095 : index
    %swap3A_27 = arith.constant 0 : index
    %swap3A_28 = vector.load %arg2[%swap3A, %swap3A_27] : memref<4096x16xf32, #tpu.memory_space<vmem>>, vector<1x16xf32>
    tpu.vector_store %arg2[%swap3A, %swap3A_27], %get3A_26 {strides = array<i32>} : memref<4096x16xf32, #tpu.memory_space<vmem>>, vector<1x16xf32>,
    return
  }
}

module attributes {stable_mosaic.version = 14 : i64} {
  func.func @_fps_body(%arg0: memref<3x16x128xf32, #tpu.memory_space<vmem>>, %arg1: memref<2048x16xf32, #tpu.memory_space<vmem>>, %arg2: memref<512x16xf32, #tpu.memory_space<vmem>>) attributes {dimension_semantics = [], scalar_prefetch = 0 : i64, scratch_operands = 0 : i64, tpu.core_type = #tpu.core_type<tc>} {
    %get3A = arith.constant 0 : index
    %get3A_0 = arith.constant 0 : index
    %get3A_1 = arith.constant 0 : index
    %get3A_2 = vector.load %arg0[%get3A, %get3A_0, %get3A_1] : memref<3x16x128xf32, #tpu.memory_space<vmem>>, vector<1x16x128xf32>
    %get3A_3 = vector.shape_cast %get3A_2 : vector<1x16x128xf32> to vector<16x128xf32>
    %get3A_4 = arith.constant 1 : index
    %get3A_5 = arith.constant 0 : index
    %get3A_6 = arith.constant 0 : index
    %get3A_7 = vector.load %arg0[%get3A_4, %get3A_5, %get3A_6] : memref<3x16x128xf32, #tpu.memory_space<vmem>>, vector<1x16x128xf32>
    %get3A_8 = vector.shape_cast %get3A_7 : vector<1x16x128xf32> to vector<16x128xf32>
    %get3A_9 = arith.constant 2 : index
    %get3A_10 = arith.constant 0 : index
    %get3A_11 = arith.constant 0 : index
    %get3A_12 = vector.load %arg0[%get3A_9, %get3A_10, %get3A_11] : memref<3x16x128xf32, #tpu.memory_space<vmem>>, vector<1x16x128xf32>
    %get3A_13 = vector.shape_cast %get3A_12 : vector<1x16x128xf32> to vector<16x128xf32>
    %iota3A = tpu.iota {dimensions = array<i32: 0>} : vector<16x128xi32>
    %mul3A = arith.constant 128 : i32
    %mul3A_14 = vector.broadcast %mul3A : i32 to vector<16x128xi32>
    %mul3A_15 = arith.muli %iota3A, %mul3A_14 : vector<16x128xi32>
    %iota3A_16 = tpu.iota {dimensions = array<i32: 1>} : vector<16x128xi32>
    %add3A = arith.addi %mul3A_15, %iota3A_16 : vector<16x128xi32>
    %broadcast_in_dim3A = arith.constant 0x7F800000 : f32
    %broadcast_in_dim3A_17 = vector.broadcast %broadcast_in_dim3A : f32 to vector<16x128xf32>
    %scan3A = arith.constant 0 : i32
    %scan3A_18 = arith.constant 1 : i32
    %scan3A_19 = arith.constant 511 : i32
    %scan3A_20 = arith.addi %scan3A_18, %scan3A_19 : i32
    %scan3A_21 = arith.constant 1 : i32
    %scan3A_22:2 = scf.for %scan3A_29 = %scan3A_18 to %scan3A_20 step %scan3A_21 iter_args(%scan3A_30 = %broadcast_in_dim3A_17, %scan3A_31 = %scan3A) -> (vector<16x128xf32>, i32)  : i32 {
      %get3A_32 = arith.index_cast %scan3A_31 : i32 to index
      %get3A_33 = arith.constant 0 : index
      %get3A_34 = vector.load %arg1[%get3A_32, %get3A_33] : memref<2048x16xf32, #tpu.memory_space<vmem>>, vector<1x16xf32>
      %sub3A = arith.constant 1 : i32
      %sub3A_35 = arith.subi %scan3A_29, %sub3A : i32
      %swap3A_36 = arith.index_cast %sub3A_35 : i32 to index
      %swap3A_37 = arith.constant 0 : index
      %swap3A_38 = vector.load %arg2[%swap3A_36, %swap3A_37] : memref<512x16xf32, #tpu.memory_space<vmem>>, vector<1x16xf32>
      tpu.vector_store %arg2[%swap3A_36, %swap3A_37], %get3A_34 {strides = array<i32>} : memref<512x16xf32, #tpu.memory_space<vmem>>, vector<1x16xf32>,
      %slice3A = vector.extract_strided_slice %get3A_34 {offsets = [0, 0], sizes = [1, 1], strides = [1, 1]} : vector<1x16xf32> to vector<1x1xf32>
      %squeeze3A = vector.extract %slice3A[0, 0] : f32 from vector<1x1xf32>
      %slice3A_39 = vector.extract_strided_slice %get3A_34 {offsets = [0, 1], sizes = [1, 1], strides = [1, 1]} : vector<1x16xf32> to vector<1x1xf32>
      %squeeze3A_40 = vector.extract %slice3A_39[0, 0] : f32 from vector<1x1xf32>
      %slice3A_41 = vector.extract_strided_slice %get3A_34 {offsets = [0, 2], sizes = [1, 1], strides = [1, 1]} : vector<1x16xf32> to vector<1x1xf32>
      %squeeze3A_42 = vector.extract %slice3A_41[0, 0] : f32 from vector<1x1xf32>
      %sub3A_43 = vector.broadcast %squeeze3A : f32 to vector<16x128xf32>
      %sub3A_44 = arith.subf %get3A_3, %sub3A_43 : vector<16x128xf32>
      %integer_pow3A = arith.mulf %sub3A_44, %sub3A_44 : vector<16x128xf32>
      %sub3A_45 = vector.broadcast %squeeze3A_40 : f32 to vector<16x128xf32>
      %sub3A_46 = arith.subf %get3A_8, %sub3A_45 : vector<16x128xf32>
      %integer_pow3A_47 = arith.mulf %sub3A_46, %sub3A_46 : vector<16x128xf32>
      %add3A_48 = arith.addf %integer_pow3A, %integer_pow3A_47 : vector<16x128xf32>
      %sub3A_49 = vector.broadcast %squeeze3A_42 : f32 to vector<16x128xf32>
      %sub3A_50 = arith.subf %get3A_13, %sub3A_49 : vector<16x128xf32>
      %integer_pow3A_51 = arith.mulf %sub3A_50, %sub3A_50 : vector<16x128xf32>
      %add3A_52 = arith.addf %add3A_48, %integer_pow3A_51 : vector<16x128xf32>
      %min3A = arith.minimumf %scan3A_30, %add3A_52 : vector<16x128xf32>
      %reduce_max3A = vector.shape_cast %min3A : vector<16x128xf32> to vector<1x16x128xf32>
      %reduce_max3A_53 = arith.constant dense<0xFF800000> : vector<1xf32>
      %reduce_max3A_54 = vector.multi_reduction <maximumf>, %reduce_max3A, %reduce_max3A_53 [1, 2] : vector<1x16x128xf32> to vector<1xf32>
      %reduce_max3A_55 = vector.shape_cast %reduce_max3A_54 : vector<1xf32> to vector<1x1x1xf32>
      %reduce_max3A_56 = vector.extract %reduce_max3A_55[0, 0, 0] : f32 from vector<1x1x1xf32>
      %eq3A = vector.broadcast %reduce_max3A_56 : f32 to vector<16x128xf32>
      %eq3A_57 = arith.cmpf oeq, %min3A, %eq3A : vector<16x128xf32>
      %jit3A = arith.constant 2048 : i32
      %broadcast_in_dim3A_58 = vector.broadcast %jit3A : i32 to vector<16x128xi32>
      %select_n3A = arith.select %eq3A_57, %add3A, %broadcast_in_dim3A_58 : vector<16x128xi1>, vector<16x128xi32>
      %reduce_min3A = vector.shape_cast %select_n3A : vector<16x128xi32> to vector<1x16x128xi32>
      %reduce_min3A_59 = arith.constant dense<2147483647> : vector<1xi32>
      %reduce_min3A_60 = vector.multi_reduction <minsi>, %reduce_min3A, %reduce_min3A_59 [1, 2] : vector<1x16x128xi32> to vector<1xi32>
      %reduce_min3A_61 = vector.shape_cast %reduce_min3A_60 : vector<1xi32> to vector<1x1x1xi32>
      %reduce_min3A_62 = vector.extract %reduce_min3A_61[0, 0, 0] : i32 from vector<1x1x1xi32>
      scf.yield %min3A, %reduce_min3A_62 : vector<16x128xf32>, i32
    }
    %scan3A_23 = arith.constant 511 : i32
    %get3A_24 = arith.index_cast %scan3A_22#1 : i32 to index
    %get3A_25 = arith.constant 0 : index
    %get3A_26 = vector.load %arg1[%get3A_24, %get3A_25] : memref<2048x16xf32, #tpu.memory_space<vmem>>, vector<1x16xf32>
    %swap3A = arith.constant 511 : index
    %swap3A_27 = arith.constant 0 : index
    %swap3A_28 = vector.load %arg2[%swap3A, %swap3A_27] : memref<512x16xf32, #tpu.memory_space<vmem>>, vector<1x16xf32>
    tpu.vector_store %arg2[%swap3A, %swap3A_27], %get3A_26 {strides = array<i32>} : memref<512x16xf32, #tpu.memory_space<vmem>>, vector<1x16xf32>,
    return
  }
}

</mosaic_0001>

<sc_bundles>
// kernel: gather_offload_async_start
scs
__scs_entry_jumppad:
0x0: {  	(pc) =	sbr.rel $0x88, $3  }
0x1: {  	(tag) =	ssettag $0x0;
	lr =	simm.s32 $0x1  }
0x2: {  	[smem:$0x3F74] =	sst lr;
	_ =	strace $0xD0000000  }
0x3: {  	_ = 	snop  }
0x4: {  	_ = 	snop  }
0x5: {  	_ = 	snop  }
0x6: {  	_ = 	snop  }
0x7: {  	_ = 	snop  }
__scs_overlays_trampoline_lowered:
0x8: {  	[smem:$0x3F83] =	sst s0  }
0x9: {  	[smem:$0x3F84] =	sst s1  }
0xa: {  	[smem:$0x3F85] =	sst s2  }
0xb: {  	[smem:$0x3F86] =	sst s3  }
0xc: {  	[smem:$0x3F87] =	sst s4  }
0xd: {  	[smem:$0x3F88] =	sst s5  }
0xe: {  	[smem:$0x3F89] =	sst s6  }
0xf: {  	[smem:$0x3F8A] =	sst s7  }
0x10: {  	[smem:$0x3F8B] =	sst s8  }
0x11: {  	[smem:$0x3F8C] =	sst s9;
	s0 =	simm.s32 @!p0 $0x0  }
0x12: {  	s1 =	sld [smem:$0x3F72];
	s0 =	simm.s32 @p0 $0x1  }
0x13: {  	[smem:$0x3F8D] =	sst s0;
	s0 =	simm.s32 @!p1 $0x0  }
0x14: {  	s2 =	sld [smem:$0x3F71];
	s0 =	simm.s32 @p1 $0x1  }
0x15: {  	[smem:$0x3F8E] =	sst s0;
	s0 =	simm.s32 @!p2 $0x0  }
0x16: {  	s3 =	sld [smem:$0x3FDB];
	s0 =	simm.s32 @p2 $0x1  }
0x17: {  	s4 =	simm.s32 $0x1BF5;
	[smem:$0x3F90] =	sst s0  }
0x18: {  	s0 =	sld [smem:$0x3F73];
	_ =	swait.ge [sflag:s4], $0x0  }
0x19: {  	s7 =	sld [smem:$0x3F74]  }
0x1a: {  	s8 =	sadd.s32 $0xFFFFE003, lr  }
0x1b: {  	s9 =	sadd.s32 $0xFFFFFEF7, lr;
	s5 =	simm.s32 $0xFFFFFFFF;
	p2 =	slt.u32 s8, $0xFFFFF086  }
0x1c: {  	p1 =	slt.u32 s9, $0xF7A;
	s5 =	simm.s32 @!p2 $0x0  }
0x1d: {  	s5 =	simm.s32 @p1 $0x1;
	p0 =	seq.s32 s7, s2  }
0x1e: {  	s7 =	smul.u32 @!p0 $0xF7A, s2;
	p2 =	seq.s32 @!p0 s5, $0x0  }
0x1f: {  	s9 =	smul.u32 $0xF7A, s1;
	s8 =	simm.s32 @!p0 $0x1BF5;
	p2 =	por !p2, p0  }
0x20: {  	[sflag:s8] =	ssyncset.s32 @!p0 $0xFFFFF086;
	s6 =	sadd.s32 @!p0 s3, s7;
	s7 =	simm.s32 @!p0 $0x108  }
0x21: {  	s3 =	sadd.s32 s3, s9;
	s6 =	sadd.s32 @!p0 $0x88, s6;
	s7 =	simm.s32 @p2 $0x1082  }
0x22: {  	[simem:s7], [sflag:s8] =	dma.local @!p0 [hbm:s6], $0xF7A  }
0x23: {  	s9 =	sor.u32 $0xD0000000, s2;
	s6 =	simm.s32 $0x108;
	_ =	swait.ge @!p0 [sflag:s8], $0x0  }
0x24: {  	s3 =	sadd.s32 $0x88, s3;
	s6 =	simm.s32 @!p1 $0x1082;
	[sflag:s4] =	ssyncset.s32 $0xFFFFF086  }
0x25: {  	[simem:s6], [sflag:s4] =	dma.local [hbm:s3], $0xF7A  }
0x26: {  	[smem:$0x3F74] =	sst s1;
	(tag) =	ssettag s2;
	_ =	strace s9  }
0x27: {  	s1 =	sld [smem:$0x3F84]  }
0x28: {  	s2 =	sld [smem:$0x3F85]  }
0x29: {  	s4 =	sld [smem:$0x3F87]  }
0x2a: {  	p0 =	seq.s32 s5, $0x0;
	s5 =	sld [smem:$0x3F88]  }
0x2b: {  	s6 =	sld [smem:$0x3F89]  }
0x2c: {  	s7 =	sld [smem:$0x3F8A]  }
0x2d: {  	s3 =	simm.s32 $0x108;
	s8 =	sld [smem:$0x3F8B]  }
0x2e: {  	s3 =	simm.s32 @!p0 $0x1082;
	s9 =	sld [smem:$0x3F8C]  }
0x2f: {  	lr =	sadd.s32 s0, s3;
	s0 =	sld [smem:$0x3F83]  }
0x30: {  	s3 =	sld [smem:$0x3F86]  }
0x31: {  	[smem:$0x3F8F] =	sst s10  }
0x32: {  	s10 =	sld [smem:$0x3F8D];
	_ =	sdelay $0x3  }
0x33: {  	p0 =	seq.s32 s10, $0x1;
	s10 =	sld [smem:$0x3F8F];
	_ =	sdelay $0x3  }
0x34: {  	[smem:$0x3F8F] =	sst s10  }
0x35: {  	s10 =	sld [smem:$0x3F8E];
	_ =	sdelay $0x3  }
0x36: {  	p1 =	seq.s32 s10, $0x1;
	s10 =	sld [smem:$0x3F8F];
	_ =	sdelay $0x3  }
0x37: {  	[smem:$0x3F8F] =	sst s10  }
0x38: {  	s10 =	sld [smem:$0x3F90]  }
0x39: {  	_ = 	snop;
	(pc) =	sbr.ind lr, $3  }
0x3a: {  	_ = 	snop  }
0x3b: {  	_ = 	snop  }
0x3c: {  	p2 =	seq.s32 s10, $0x1;
	s10 =	sld [smem:$0x3F8F]  }
0x3d: {  	_ =	shalt  }
0x3e: {  	_ =	shalt  }
0x3f: {  	_ =	shalt  }
0x40: {  	_ =	shalt  }
0x41: {  	_ =	shalt  }
0x42: {  	_ =	shalt  }
0x43: {  	_ =	shalt  }
0x44: {  	_ =	shalt  }
0x45: {  	_ =	shalt  }
0x46: {  	_ =	shalt  }
0x47: {  	_ =	shalt  }
0x48: {  	_ =	shalt  }
0x49: {  	_ =	shalt  }
0x4a: {  	_ =	shalt  }
0x4b: {  	_ =	shalt  }
0x4c: {  	_ =	shalt  }
0x4d: {  	_ =	shalt  }
0x4e: {  	_ =	shalt  }
0x4f: {  	_ =	shalt  }
0x50: {  	_ =	shalt  }
0x51: {  	_ =	shalt  }
0x52: {  	_ =	shalt  }
0x53: {  	_ =	shalt  }
0x54: {  	_ =	shalt  }
0x55: {  	_ =	shalt  }
0x56: {  	_ =	shalt  }
0x57: {  	_ =	shalt  }
0x58: {  	_ =	shalt  }
0x59: {  	_ =	shalt  }
0x5a: {  	_ =	shalt  }
0x5b: {  	_ =	shalt  }
0x5c: {  	_ =	shalt  }
0x5d: {  	_ =	shalt  }
0x5e: {  	_ =	shalt  }
0x5f: {  	_ =	shalt  }
0x60: {  	_ =	shalt  }
0x61: {  	_ =	shalt  }
0x62: {  	_ =	shalt  }
0x63: {  	_ =	shalt  }
0x64: {  	_ =	shalt  }
0x65: {  	_ =	shalt  }
0x66: {  	_ =	shalt  }
0x67: {  	_ =	shalt  }
0x68: {  	_ =	shalt  }
0x69: {  	_ =	shalt  }
0x6a: {  	_ =	shalt  }
0x6b: {  	_ =	shalt  }
0x6c: {  	_ =	shalt  }
0x6d: {  	_ =	shalt  }
0x6e: {  	_ =	shalt  }
0x6f: {  	_ =	shalt  }
0x70: {  	_ =	shalt  }
0x71: {  	_ =	shalt  }
0x72: {  	_ =	shalt  }
0x73: {  	_ =	shalt  }
0x74: {  	_ =	shalt  }
0x75: {  	_ =	shalt  }
0x76: {  	_ =	shalt  }
0x77: {  	_ =	shalt  }
0x78: {  	_ =	shalt  }
0x79: {  	_ =	shalt  }
0x7a: {  	_ =	shalt  }
0x7b: {  	_ =	shalt  }
0x7c: {  	_ =	shalt  }
0x7d: {  	_ =	shalt  }
0x7e: {  	_ =	shalt  }
0x7f: {  	_ =	shalt  }
0x80: {  	_ =	shalt  }
0x81: {  	_ =	shalt  }
0x82: {  	_ =	shalt  }
0x83: {  	_ =	shalt  }
0x84: {  	_ =	shalt  }
0x85: {  	_ =	shalt  }
0x86: {  	_ =	shalt  }
0x87: {  	_ =	shalt  }
.Lfunc_end0:
.L_simem_size_0:
called_computation.2_lowered:
.L_overlay_start_0:
0x88: {  	s2 =	sld [smem:$0x3FD9]  }
0x89: {  	s3 =	sld [smem:$0x3FFE];
	_ =	sdelay $0x1  }
0x8a: {  	s1 =	srdreg.scid  }
0x8b: {  	s0 =	sand.u32 $0x1, s1  }
0x8c: {  	s16 =	sshll.u32 s0, $0xA;
	s2 =	sadd.s32 s3, s2  }
0x8d: {  	s2 =	sadd.s32 s2, s16  }
0x8e: {  	[smem:$0x3F9B] =	sst s2  }
0x8f: {  	_ = 	snop  }
0x90: {  	(tm) =	ssettm $0x1  }
0x91: {  	s17 =	sld [smem:$0x3FFB];
	_ =	sdelay $0x3  }
0x92: {  	_ =	strace s17  }
0x93: {  	s2 =	sld [smem:$0x3FFC];
	_ =	sdelay $0x3  }
0x94: {  	_ =	strace s2  }
0x95: {  	s2 =	sld [smem:$0x3FFD];
	_ =	sdelay $0x3  }
0x96: {  	_ =	strace s2  }
0x97: {  	_ =	strace $0x8FFFFFFF  }
0x98: {  	s18 =	sld [smem:$0x3FDB];
	_ =	sdelay $0x1  }
0x99: {  	s19 =	simm.s32 $_scs_section_size  }
0x9a: {  	s4 =	simm.s32 $_size__tile_overlayer_lowered;
	s5 =	simm.s32 $_tile_overlayer_lowered  }
0x9b: {  	s22 =	simm.s32 $0x1BFF;
	s21 =	sshll.u32 s5, $0x1;
	s2 =	sadd.s32 s19, s18  }
0x9c: {  	s6 =	simm.s32 $0x0;
	s20 =	sshll.u32 s4, $0x1;
	s4 =	sadd.s32 s21, s2  }
0x9d: {  	[timem:s6], [sflag:s22] =	dma.local [hbm:s4], s20  }
0x9e: {  	_ =	swait.ge [sflag:s22], s20  }
0x9f: {  	s3 =	ssub.s32 $0x0, s20;
	[sflag:s22] =	ssyncset.done $0x0  }
0xa0: {  	[sflag:s22] =	ssyncadd.s32 s3;
	_ =	sdelay $0x1  }
0xa1: {  	s23 =	simm.s32 $0x1B8B  }
0xa2: {  	_ =	swait.ge [sflag:s23], $0x1  }
0xa3: {  	[sflag:s23] =	ssyncset.done $0x0  }
0xa4: {  	s25 =	simm.s32 $0x1B8E;
	s24 =	sld [smem:$0x3FFE];
	[sflag:s23] =	ssyncadd.s32 $0xFFFFFFFF  }
0xa5: {  	s26 =	simm.s32 $execute0_lowered;
	[smem:$0x3FD2] =	sst s25  }
0xa6: {  	s4 =	sshll.u32 s26, $0x1;
	_ =	strace $0x80000046;
	[dreg:$0x1] =	wrdreg $0xFFFFFFFF  }
0xa7: {  	s28 =	simm.s32 $_size_execute0_lowered;
	s2 =	sadd.s32 s2, s4;
	[dreg:$0x0] =	wrdreg $0x0  }
0xa8: {  	s4 =	sshll.u32 s28, $0x1;
	[dreg:$0x2] =	wrdreg s2  }
0xa9: {  	[dreg:$0x3] =	wrdreg s4  }
0xaa: {  	[dreg:$0x4] =	wrdreg $0xC0  }
0xab: {  	_ =	task [dreg:s6], $0x5FFFF  }
0xac: {  	[dreg:$0x1] =	wrdreg $0xFFFFFFFF  }
0xad: {  	[dreg:$0x0] =	wrdreg $0x60  }
0xae: {  	[dreg:$0x2] =	wrdreg s24  }
0xaf: {  	[dreg:$0x3] =	wrdreg $0x9  }
0xb0: {  	_ =	task.clear_ibuf [dreg:s6], $0x4FFFF;
	_ =	strace $0x90000046  }
0xb1: {  	s29 =	simm.s32 $0x9;
	_ =	strace $0x80000048  }
0xb2: {  	_ =	swait.ge [sflag:s29], $0x1  }
0xb3: {  	[sflag:s29] =	ssyncadd.s32 $0xFFFFFFFF  }
0xb4: {  	_ =	strace $0x90000048  }
0xb5: {  	_ =	sfence  }
0xb6: {  	s30 =	sld [smem:$0x0];
	_ =	sdelay $0x2  }
0xb7: {  	s31 =	sshll.u32 s1, $0xD;
	s1 =	sshrl.u32 s1, $0x2  }
0xb8: {  	s3 =	sand.u32 $0x4000, s31;
	s1 =	sadd.s32 s1, s30  }
0xb9: {  	s0 =	sor.u32 s3, s0;
	s1 =	sshll.u32 s1, $0x11  }
0xba: {  	s0 =	sor.u32 s1, s0  }
0xbb: {  	s0 =	sadd.s32 $0x8F2B, s0  }
0xbc: {  	[sflag:s0] =	ssyncadd.remote.s32 $0x1  }
0xbd: {  	_ =	sfence.sel $0xFFFF  }
0xbe: {  	[dreg:$0x0] =	wrdreg $0xFFFFFFFF;
	(pc) =	sbr.abs _section_cstart, $3  }
0xbf: {  	[dreg:$0x1] =	wrdreg $0xFFFFFFFF  }
0xc0: {  	_ =	task.clear_ibuf [dreg:s6], $0x2FFFF;
	_ =	strace $0x9FFFFFFF  }
0xc1: {  	(tm) =	ssettm $0x7FFFFFFF  }
tec
execute0_lowered:
.L_overlay_start_1:
0x0: {  	(tag) =	ssettag $0x1  }
0x1: {  	s2 =	rddreg [dreg:$0x0]  }
0x2: {  	s0 =	rddreg [dreg:$0x1]  }
0x3: {  	s1 =	srdreg.scid;
	_ =	strace $0x80000047;
	s4 =	simm.s32 $0x1  }
0x4: {  	s9 =	simm.s32 $0x3;
	s12 =	simm.s32 $0x0;
	s5 =	sshll.u32 s1, $0x4  }
.Ltmp0:
0x5: {  	s1 =	stileid.u32;
	s5 =	sand.u32 $0x10, s5;
	(pc) =	sbr.rel .LBB2_1-.Ltmp0, $4  }
0x6: {  	s10 =	simm.s32 $0x0;
	s3 =	sadd.s32 $0x400, s2;
	s6 =	sor.u32 s1, s5  }
0x7: {  	[sflag:s4] =	ssyncpa.u1 $0x0;
	s5 =	simm.s32 $0x2;
	s6 =	sshll.u32 s6, $0x8  }
0x8: {  	s7 =	sadd.s32 $0x20400, s2;
	[sflag:s5] =	ssyncpa.u1 $0x0;
	s8 =	sadd.s32 $0x100, s6  }
0x9: {  	vm0 =	vmmov $0xff;
	vm1 =	vcmask $0x3F20;
	[sflag:s9] =	ssyncpa.u1 $0x0;
	s9 =	simm.s32 $0x100;
	s11 =	smov.u32 s6  }
.LBB2_9:
0xa: {  	p0 =	seq.s32 s10, $0x2  }
.Ltmp1:
0xb: {  	_ = 	snop;
	(pc) =	sbr.rel @p0 .LBB2_11-.Ltmp1, $1  }
0xc: {  	_ =	sdelay $0x3  }
.LBB2_10:
0xd: {  	s12 =	sadd.s32 $0x100, s11  }
0xe: {  	s13 =	smov.u32 s6;
	p0 =	slt.s32 s12, s8  }
0xf: {  	s13 =	smov.u32 @p0 s12  }
0x10: {  	s10 =	sadd.s32 $0x1, s10;
	s12 =	smov.u32 s11;
	s11 =	smov.u32 s13  }
.LBB2_1:
0x11: {  	p0 =	sne.s32 s10, $0x0  }
.Ltmp2:
0x12: {  	_ = 	snop;
	(pc) =	sbr.rel @!p0 .LBB2_2-.Ltmp2, $1  }
0x13: {  	_ =	sdelay $0x3  }
0x14: {  	s13 =	sand.u32 $0x1, s10  }
0x15: {  	p0 =	seq.s32 s13, $0x0  }
.Ltmp3:
0x16: {  	_ = 	snop;
	(pc) =	sbr.rel @p0 .LBB2_9-.Ltmp3, $1  }
0x17: {  	_ =	sdelay $0x3  }
0x18: {  	_ =	swait.ge [sflag:s5], $0x100  }
0x19: {  	[sflag:s5] =	ssyncset.done $0x0  }
0x1a: {  	s13 =	simm.s32 $0x0;
	[sflag:s5] =	ssyncadd.s32 $0xFFFFFF00  }
0x1b: {  	v0 =	vld.msk [tilespmem:s13+$0x100 ss:$0x1], $0xffff;
	_ =	sdelay $0x4  }
0x1c: {  	vm2 =	vgt.s32 v0, $0x0  }
0x1d: {  	v0 =	vnsel vm2, $0x0, v0  }
0x1e: {  	v0 =	vmin.u32 v0, $0x1FFF  }
0x1f: {  	v0 =	vshll.u32 v0, $0x4;
	_ =	sdelay $0x3  }
0x20: {  	s13 =	simm.s32 $0x8200  }
0x21: {  	[tilespmem:s13], [sflag:$0x1] =	stream.indirect_vreg.gather [hbm:s3], $0x80, v0, vm0, $0x38;
	[tilespmem:$0x10200] =	vst v63  }
0x22: {  	s14 =	simm.s32 $0x8600;
	s31 =	simm.s32 $0x10  }
0x23: {  	[tilespmem:s14], [sflag:$0x1] =	stream.indirect_vreg.gather [hbm:s3], $0x80, v0, vm1, $0x38;
	[tilespmem:$0x10200] =	vst v63  }
0x24: {  	s14 =	simm.s32 $0x80;
	v0 =	vld.msk [tilespmem:s31+$0x100 ss:$0x1], $0xffff  }
.LBB2_5:
0x25: {  	p0 =	sne.s32 s14, $0x3C0;
	_ =	sdelay $0x4  }
0x26: {  	vm2 =	vgt.s32 v0, $0x0  }
0x27: {  	v0 =	vnsel vm2, $0x0, v0  }
0x28: {  	v0 =	vmin.u32 v0, $0x1FFF  }
0x29: {  	v0 =	vshll.u32 v0, $0x4;
	_ =	sdelay $0x3  }
.Ltmp4:
0x2a: {  	s13 =	sadd.s32 $0x800, s13;
	(pc) =	sbr.rel @p0 .LBB2_5-.Ltmp4, $4  }
0x2b: {  	[tilespmem:s13], [sflag:$0x1] =	stream.indirect_vreg.gather [hbm:s3], $0x80, v0, vm0, $0x38;
	[tilespmem:$0x10200] =	vst v63  }
0x2c: {  	s15 =	sshra.s32 s14, $0x2;
	s16 =	sadd.s32 $0x400, s13  }
0x2d: {  	[tilespmem:s16], [sflag:$0x1] =	stream.indirect_vreg.gather [hbm:s3], $0x80, v0, vm1, $0x38;
	[tilespmem:$0x10200] =	vst v63  }
0x2e: {  	s14 =	sadd.s32 $0x40, s14;
	v0 =	vld.msk [tilespmem:s15+$0x100 ss:$0x1], $0xffff  }
0x2f: {  	_ =	sdelay $0x3  }
0x30: {  	vm2 =	vgt.s32 v0, $0x0  }
0x31: {  	v0 =	vnsel vm2, $0x0, v0  }
0x32: {  	v0 =	vmin.u32 v0, $0x1FFF  }
0x33: {  	v0 =	vshll.u32 v0, $0x4;
	_ =	sdelay $0x3  }
0x34: {  	s13 =	sadd.s32 $0x800, s13  }
0x35: {  	[tilespmem:s13], [sflag:$0x1] =	stream.indirect_vreg.gather [hbm:s3], $0x80, v0, vm0, $0x38;
	[tilespmem:$0x10200] =	vst v63  }
0x36: {  	s13 =	sadd.s32 $0x400, s13  }
0x37: {  	[tilespmem:s13], [sflag:$0x1] =	stream.indirect_vreg.gather [hbm:s3], $0x80, v0, vm1, $0x38;
	[tilespmem:$0x10200] =	vst v63  }
0x38: {  	s12 =	sshll.u32 s12, $0x4;
	s14 =	simm.s32 $0x80;
	_ =	swait.ge [sflag:s4], $0x8000  }
0x39: {  	s15 =	simm.s32 $0x8600;
	s12 =	sadd.s32 s12, s7;
	[sflag:s4] =	ssyncset.done $0x0  }
0x3a: {  	s16 =	sadd.s32 $0x0, s12;
	s13 =	simm.s32 $0x8200;
	[sflag:s4] =	ssyncadd.s32 $0xFFFF8000  }
.LBB2_7:
0x3b: {  	[hbm:s16] =	stream.linear.scatter [tilespmem:s13], [sflag:$0x3], $0x400, $0x38;
	[tilespmem:$0x10200] =	vst v63  }
0x3c: {  	s16 =	smov.u32 s14;
	s13 =	smov.u32 s15;
	p0 =	sne.s32 s14, $0xF80  }
.Ltmp5:
0x3d: {  	s14 =	sadd.s32 $0x80, s14;
	(pc) =	sbr.rel @p0 .LBB2_7-.Ltmp5, $2  }
0x3e: {  	_ =	sdelay $0x2  }
0x3f: {  	s15 =	sadd.s32 $0x400, s15;
	s16 =	sadd.s32 s16, s12  }
.Ltmp6:
0x40: {  	(pc) =	sbr.rel .LBB2_9-.Ltmp6, $2  }
0x41: {  	_ =	sdelay $0x2  }
0x42: {  	[hbm:s16] =	stream.linear.scatter [tilespmem:s13], [sflag:$0x3], $0x400, $0x38;
	[tilespmem:$0x10200] =	vst v63  }
.LBB2_2:
.Ltmp7:
0x43: {  	(pc) =	sbr.rel .LBB2_10-.Ltmp7, $4  }
0x44: {  	_ = 	snop  }
0x45: {  	s12 =	sshrl.u32 s11, $0x3  }
0x46: {  	s13 =	sand.u32 $0x7, s11;
	s12 =	sadd.s32 s2, s12  }
0x47: {  	[tilespmem:s9], [sflag:$0x2] =	stream.linear.gather [hbm4b:s12+s13], $0x100, $0x38;
	[tilespmem:$0x10200] =	vst v63  }
.LBB2_11:
0x48: {  	s2 =	simm.s32 $0x3  }
0x49: {  	_ =	swait.ge [sflag:s2], $0x8000  }
0x4a: {  	[sflag:s2] =	ssyncset.done $0x0  }
0x4b: {  	[sflag:s2] =	ssyncadd.s32 $0xFFFF8000  }
0x4c: {  	_ =	sfence.sel $0x180000  }
0x4d: {  	s3 =	simm.s32 $0x2;
	[bflag:$0x0] =	sbarrier.arrive $0xFFFF  }
0x4e: {  	[sflag:s3] =	ssyncpa.u1 $0x1  }
0x4f: {  	s31 =	simm.s32 $0x1;
	[sflag:s2] =	ssyncpa.u1 $0x1  }
0x50: {  	[sflag:s31] =	ssyncpa.u1 $0x1  }
0x51: {  	p0 =	sne.s32 s1, $0x0;
	_ =	strace $0x90000047  }
0x52: {  	s0 =	sadd.s32 @!p0 $0x100000, s0;
	[bflag:$0x2] =	sbarrier.arrive $0xFFFF  }
0x53: {  	[sflag:s0] =	ssyncadd.tile.s32 @!p0 $0x1;
	_ =	shalt  }
.Lfunc_end2:
_tile_overlayer_lowered:
.L_overlay_start_2:
0x54: {  	(tag) =	ssettag $0x2  }
0x55: {  	s0 =	rddreg [dreg:$0x0];
	s2 =	stileid.u32  }
0x56: {  	s1 =	rddreg [dreg:$0x1];
	p0 =	sne.s32 s2, $0x0  }
0x57: {  	s3 =	rddreg [dreg:$0x2];
	[bflag:$0x3] =	sbarrier.arrive $0xFFFF;
	s2 =	simm.s32 @!p0 $0x1C01  }
0x58: {  	[timem:s3], [sflag:s2] =	dma.local @!p0 [hbm:s0], s1  }
0x59: {  	s0 =	simm.s32 @!p0 $0x1  }
0x5a: {  	_ =	swait.ge @!p0 [sflag:s0], s1  }
0x5b: {  	s1 =	ssub.s32 @!p0 $0x0, s1;
	[sflag:s0] =	ssyncset.done @!p0 $0x0  }
0x5c: {  	[sflag:s0] =	ssyncadd.s32 @!p0 s1  }
0x5d: {  	[bflag:$0x3] =	sbarrier.arrive $0xFFFF  }
0x5e: {  	_ =	shalt  }

// kernel: scatter_offload_async_start.1
scs
__scs_entry_jumppad:
0x0: {  	(pc) =	sbr.rel $0x88, $3  }
0x1: {  	(tag) =	ssettag $0x0;
	lr =	simm.s32 $0x1  }
0x2: {  	[smem:$0x3F74] =	sst lr;
	_ =	strace $0xD0000000  }
0x3: {  	_ = 	snop  }
0x4: {  	_ = 	snop  }
0x5: {  	_ = 	snop  }
0x6: {  	_ = 	snop  }
0x7: {  	_ = 	snop  }
__scs_overlays_trampoline_lowered:
0x8: {  	[smem:$0x3F83] =	sst s0  }
0x9: {  	[smem:$0x3F84] =	sst s1  }
0xa: {  	[smem:$0x3F85] =	sst s2  }
0xb: {  	[smem:$0x3F86] =	sst s3  }
0xc: {  	[smem:$0x3F87] =	sst s4  }
0xd: {  	[smem:$0x3F88] =	sst s5  }
0xe: {  	[smem:$0x3F89] =	sst s6  }
0xf: {  	[smem:$0x3F8A] =	sst s7  }
0x10: {  	[smem:$0x3F8B] =	sst s8  }
0x11: {  	[smem:$0x3F8C] =	sst s9;
	s0 =	simm.s32 @!p0 $0x0  }
0x12: {  	s1 =	sld [smem:$0x3F72];
	s0 =	simm.s32 @p0 $0x1  }
0x13: {  	[smem:$0x3F8D] =	sst s0;
	s0 =	simm.s32 @!p1 $0x0  }
0x14: {  	s2 =	sld [smem:$0x3F71];
	s0 =	simm.s32 @p1 $0x1  }
0x15: {  	[smem:$0x3F8E] =	sst s0;
	s0 =	simm.s32 @!p2 $0x0  }
0x16: {  	s3 =	sld [smem:$0x3FDB];
	s0 =	simm.s32 @p2 $0x1  }
0x17: {  	s4 =	simm.s32 $0x1BF5;
	[smem:$0x3F90] =	sst s0  }
0x18: {  	s0 =	sld [smem:$0x3F73];
	_ =	swait.ge [sflag:s4], $0x0  }
0x19: {  	s7 =	sld [smem:$0x3F74]  }
0x1a: {  	s8 =	sadd.s32 $0xFFFFE003, lr  }
0x1b: {  	s9 =	sadd.s32 $0xFFFFFEF7, lr;
	s5 =	simm.s32 $0xFFFFFFFF;
	p2 =	slt.u32 s8, $0xFFFFF086  }
0x1c: {  	p1 =	slt.u32 s9, $0xF7A;
	s5 =	simm.s32 @!p2 $0x0  }
0x1d: {  	s5 =	simm.s32 @p1 $0x1;
	p0 =	seq.s32 s7, s2  }
0x1e: {  	s7 =	smul.u32 @!p0 $0xF7A, s2;
	p2 =	seq.s32 @!p0 s5, $0x0  }
0x1f: {  	s9 =	smul.u32 $0xF7A, s1;
	s8 =	simm.s32 @!p0 $0x1BF5;
	p2 =	por !p2, p0  }
0x20: {  	[sflag:s8] =	ssyncset.s32 @!p0 $0xFFFFF086;
	s6 =	sadd.s32 @!p0 s3, s7;
	s7 =	simm.s32 @!p0 $0x108  }
0x21: {  	s3 =	sadd.s32 s3, s9;
	s6 =	sadd.s32 @!p0 $0x88, s6;
	s7 =	simm.s32 @p2 $0x1082  }
0x22: {  	[simem:s7], [sflag:s8] =	dma.local @!p0 [hbm:s6], $0xF7A  }
0x23: {  	s9 =	sor.u32 $0xD0000000, s2;
	s6 =	simm.s32 $0x108;
	_ =	swait.ge @!p0 [sflag:s8], $0x0  }
0x24: {  	s3 =	sadd.s32 $0x88, s3;
	s6 =	simm.s32 @!p1 $0x1082;
	[sflag:s4] =	ssyncset.s32 $0xFFFFF086  }
0x25: {  	[simem:s6], [sflag:s4] =	dma.local [hbm:s3], $0xF7A  }
0x26: {  	[smem:$0x3F74] =	sst s1;
	(tag) =	ssettag s2;
	_ =	strace s9  }
0x27: {  	s1 =	sld [smem:$0x3F84]  }
0x28: {  	s2 =	sld [smem:$0x3F85]  }
0x29: {  	s4 =	sld [smem:$0x3F87]  }
0x2a: {  	p0 =	seq.s32 s5, $0x0;
	s5 =	sld [smem:$0x3F88]  }
0x2b: {  	s6 =	sld [smem:$0x3F89]  }
0x2c: {  	s7 =	sld [smem:$0x3F8A]  }
0x2d: {  	s3 =	simm.s32 $0x108;
	s8 =	sld [smem:$0x3F8B]  }
0x2e: {  	s3 =	simm.s32 @!p0 $0x1082;
	s9 =	sld [smem:$0x3F8C]  }
0x2f: {  	lr =	sadd.s32 s0, s3;
	s0 =	sld [smem:$0x3F83]  }
0x30: {  	s3 =	sld [smem:$0x3F86]  }
0x31: {  	[smem:$0x3F8F] =	sst s10  }
0x32: {  	s10 =	sld [smem:$0x3F8D];
	_ =	sdelay $0x3  }
0x33: {  	p0 =	seq.s32 s10, $0x1;
	s10 =	sld [smem:$0x3F8F];
	_ =	sdelay $0x3  }
0x34: {  	[smem:$0x3F8F] =	sst s10  }
0x35: {  	s10 =	sld [smem:$0x3F8E];
	_ =	sdelay $0x3  }
0x36: {  	p1 =	seq.s32 s10, $0x1;
	s10 =	sld [smem:$0x3F8F];
	_ =	sdelay $0x3  }
0x37: {  	[smem:$0x3F8F] =	sst s10  }
0x38: {  	s10 =	sld [smem:$0x3F90]  }
0x39: {  	_ = 	snop;
	(pc) =	sbr.ind lr, $3  }
0x3a: {  	_ = 	snop  }
0x3b: {  	_ = 	snop  }
0x3c: {  	p2 =	seq.s32 s10, $0x1;
	s10 =	sld [smem:$0x3F8F]  }
0x3d: {  	_ =	shalt  }
0x3e: {  	_ =	shalt  }
0x3f: {  	_ =	shalt  }
0x40: {  	_ =	shalt  }
0x41: {  	_ =	shalt  }
0x42: {  	_ =	shalt  }
0x43: {  	_ =	shalt  }
0x44: {  	_ =	shalt  }
0x45: {  	_ =	shalt  }
0x46: {  	_ =	shalt  }
0x47: {  	_ =	shalt  }
0x48: {  	_ =	shalt  }
0x49: {  	_ =	shalt  }
0x4a: {  	_ =	shalt  }
0x4b: {  	_ =	shalt  }
0x4c: {  	_ =	shalt  }
0x4d: {  	_ =	shalt  }
0x4e: {  	_ =	shalt  }
0x4f: {  	_ =	shalt  }
0x50: {  	_ =	shalt  }
0x51: {  	_ =	shalt  }
0x52: {  	_ =	shalt  }
0x53: {  	_ =	shalt  }
0x54: {  	_ =	shalt  }
0x55: {  	_ =	shalt  }
0x56: {  	_ =	shalt  }
0x57: {  	_ =	shalt  }
0x58: {  	_ =	shalt  }
0x59: {  	_ =	shalt  }
0x5a: {  	_ =	shalt  }
0x5b: {  	_ =	shalt  }
0x5c: {  	_ =	shalt  }
0x5d: {  	_ =	shalt  }
0x5e: {  	_ =	shalt  }
0x5f: {  	_ =	shalt  }
0x60: {  	_ =	shalt  }
0x61: {  	_ =	shalt  }
0x62: {  	_ =	shalt  }
0x63: {  	_ =	shalt  }
0x64: {  	_ =	shalt  }
0x65: {  	_ =	shalt  }
0x66: {  	_ =	shalt  }
0x67: {  	_ =	shalt  }
0x68: {  	_ =	shalt  }
0x69: {  	_ =	shalt  }
0x6a: {  	_ =	shalt  }
0x6b: {  	_ =	shalt  }
0x6c: {  	_ =	shalt  }
0x6d: {  	_ =	shalt  }
0x6e: {  	_ =	shalt  }
0x6f: {  	_ =	shalt  }
0x70: {  	_ =	shalt  }
0x71: {  	_ =	shalt  }
0x72: {  	_ =	shalt  }
0x73: {  	_ =	shalt  }
0x74: {  	_ =	shalt  }
0x75: {  	_ =	shalt  }
0x76: {  	_ =	shalt  }
0x77: {  	_ =	shalt  }
0x78: {  	_ =	shalt  }
0x79: {  	_ =	shalt  }
0x7a: {  	_ =	shalt  }
0x7b: {  	_ =	shalt  }
0x7c: {  	_ =	shalt  }
0x7d: {  	_ =	shalt  }
0x7e: {  	_ =	shalt  }
0x7f: {  	_ =	shalt  }
0x80: {  	_ =	shalt  }
0x81: {  	_ =	shalt  }
0x82: {  	_ =	shalt  }
0x83: {  	_ =	shalt  }
0x84: {  	_ =	shalt  }
0x85: {  	_ =	shalt  }
0x86: {  	_ =	shalt  }
0x87: {  	_ =	shalt  }
.Lfunc_end0:
.L_simem_size_0:
called_computation.1_lowered:
.L_overlay_start_0:
0x88: {  	s2 =	sld [smem:$0x3FD9]  }
0x89: {  	s3 =	sld [smem:$0x3FFE];
	_ =	sdelay $0x1  }
0x8a: {  	s1 =	srdreg.scid  }
0x8b: {  	s0 =	sand.u32 $0x1, s1  }
0x8c: {  	s15 =	sshll.u32 s0, $0xA;
	s2 =	sadd.s32 s3, s2  }
0x8d: {  	s2 =	sadd.s32 s2, s15  }
0x8e: {  	[smem:$0x3F9B] =	sst s2  }
0x8f: {  	_ = 	snop  }
0x90: {  	(tm) =	ssettm $0x1  }
0x91: {  	s16 =	sld [smem:$0x3FFB];
	_ =	sdelay $0x3  }
0x92: {  	_ =	strace s16  }
0x93: {  	s2 =	sld [smem:$0x3FFC];
	_ =	sdelay $0x3  }
0x94: {  	_ =	strace s2  }
0x95: {  	s2 =	sld [smem:$0x3FFD];
	_ =	sdelay $0x3  }
0x96: {  	_ =	strace s2  }
0x97: {  	_ =	strace $0x8FFFFFFF  }
0x98: {  	s17 =	sld [smem:$0x3FDB];
	_ =	sdelay $0x1  }
0x99: {  	s18 =	simm.s32 $_scs_section_size  }
0x9a: {  	s4 =	simm.s32 $_size__tile_overlayer_lowered;
	s5 =	simm.s32 $_tile_overlayer_lowered  }
0x9b: {  	s21 =	simm.s32 $0x1BFF;
	s20 =	sshll.u32 s5, $0x1;
	s2 =	sadd.s32 s18, s17  }
0x9c: {  	s6 =	simm.s32 $0x0;
	s19 =	sshll.u32 s4, $0x1;
	s4 =	sadd.s32 s20, s2  }
0x9d: {  	[timem:s6], [sflag:s21] =	dma.local [hbm:s4], s19  }
0x9e: {  	_ =	swait.ge [sflag:s21], s19  }
0x9f: {  	s3 =	ssub.s32 $0x0, s19;
	[sflag:s21] =	ssyncset.done $0x0  }
0xa0: {  	[sflag:s21] =	ssyncadd.s32 s3;
	_ =	sdelay $0x1  }
0xa1: {  	s22 =	simm.s32 $0x1B8B  }
0xa2: {  	_ =	swait.ge [sflag:s22], $0x1  }
0xa3: {  	[sflag:s22] =	ssyncset.done $0x0  }
0xa4: {  	s23 =	sld [smem:$0x3FFE];
	[sflag:s22] =	ssyncadd.s32 $0xFFFFFFFF  }
0xa5: {  	s25 =	simm.s32 $0x1B8E;
	s24 =	sld [smem:$0x0]  }
0xa6: {  	s26 =	simm.s32 $execute0_lowered;
	[smem:$0x3FD2] =	sst s25  }
0xa7: {  	s5 =	sshll.u32 s26, $0x1;
	_ =	strace $0x8000004C;
	[dreg:$0x1] =	wrdreg $0xFFFFFFFF  }
0xa8: {  	s28 =	simm.s32 $_size_execute0_lowered;
	s2 =	sadd.s32 s2, s5;
	[dreg:$0x0] =	wrdreg $0x0  }
0xa9: {  	s5 =	sshll.u32 s28, $0x1;
	[dreg:$0x2] =	wrdreg s2  }
0xaa: {  	[dreg:$0x3] =	wrdreg s5  }
0xab: {  	[dreg:$0x4] =	wrdreg $0xC0  }
0xac: {  	_ =	task [dreg:s6], $0x5FFFF  }
0xad: {  	[dreg:$0x1] =	wrdreg $0xFFFFFFFF  }
0xae: {  	[dreg:$0x0] =	wrdreg $0x60  }
0xaf: {  	[dreg:$0x2] =	wrdreg s23  }
0xb0: {  	[dreg:$0x3] =	wrdreg s1  }
0xb1: {  	[dreg:$0x4] =	wrdreg s24  }
0xb2: {  	[dreg:$0x5] =	wrdreg $0x9  }
0xb3: {  	_ =	task.clear_ibuf [dreg:s6], $0x6FFFF;
	_ =	strace $0x9000004C  }
0xb4: {  	s29 =	simm.s32 $0x9;
	_ =	strace $0x8000004E  }
0xb5: {  	_ =	swait.ge [sflag:s29], $0x1  }
0xb6: {  	[sflag:s29] =	ssyncadd.s32 $0xFFFFFFFF  }
0xb7: {  	_ =	strace $0x9000004E  }
0xb8: {  	_ =	sfence  }
0xb9: {  	s30 =	sld [smem:$0x0];
	_ =	sdelay $0x2  }
0xba: {  	s31 =	sshll.u32 s1, $0xD;
	s1 =	sshrl.u32 s1, $0x2  }
0xbb: {  	s3 =	sand.u32 $0x4000, s31;
	s1 =	sadd.s32 s1, s30  }
0xbc: {  	s0 =	sor.u32 s3, s0;
	s1 =	sshll.u32 s1, $0x11  }
0xbd: {  	s0 =	sor.u32 s1, s0  }
0xbe: {  	s0 =	sadd.s32 $0x8F2B, s0  }
0xbf: {  	[sflag:s0] =	ssyncadd.remote.s32 $0x1  }
0xc0: {  	_ =	sfence.sel $0xFFFF  }
0xc1: {  	[dreg:$0x0] =	wrdreg $0xFFFFFFFF;
	(pc) =	sbr.abs _section_cstart, $3  }
0xc2: {  	[dreg:$0x1] =	wrdreg $0xFFFFFFFF  }
0xc3: {  	_ =	task.clear_ibuf [dreg:s6], $0x2FFFF;
	_ =	strace $0x9FFFFFFF  }
0xc4: {  	(tm) =	ssettm $0x7FFFFFFF  }
0xc5: {  	_ =	shalt  }
tec
execute0_lowered:
.L_overlay_start_1:
0x0: {  	(tag) =	ssettag $0x1  }
0x1: {  	s0 =	rddreg [dreg:$0x0]  }
0x2: {  	s2 =	rddreg [dreg:$0x1];
	_ =	strace $0x8000004D;
	s1 =	simm.s32 $0x1  }
0x3: {  	s9 =	simm.s32 $0x108;
	v0 =	vimm.s32 $0x0;
	[sflag:s1] =	ssyncpa.u1 $0x0  }
0x4: {  	[tilespmem:s9+$0x70] =	vst v0  }
0x5: {  	[tilespmem:s9+$0x60] =	vst v0  }
0x6: {  	[tilespmem:s9+$0x50] =	vst v0  }
0x7: {  	[tilespmem:s9+$0x40] =	vst v0  }
0x8: {  	s1 =	sadd.s32 $0x2000, s0;
	s15 =	sadd.s32 $0x20000, s0;
	[tilespmem:s9+$0x30] =	vst v0  }
0x9: {  	s6 =	sadd.s32 $0x22000, s0;
	s2 =	sand.u32 $0x1, s2;
	s14 =	sadd.s32 $0x21000, s0;
	[tilespmem:s9+$0x20] =	vst v0  }
0xa: {  	s0 =	simm.s32 $0x40;
	[dreg:$0x4] =	wrdreg s2;
	s16 =	sshll.u32 s2, $0xB;
	[tilespmem:s9+$0x10] =	vst v0  }
.LBB2_1:
0xb: {  	s0 =	sadd.s32 $0x40, s0;
	[tilespmem:s9+$0x0] =	vst v0;
	s9 =	sadd.s32 $0x80, s9  }
0xc: {  	p0 =	slt.u32 s0, $0x3C40;
	[tilespmem:s9+$0x70] =	vst v0  }
0xd: {  	[tilespmem:s9+$0x60] =	vst v0  }
.Ltmp0:
0xe: {  	[tilespmem:s9+$0x50] =	vst v0;
	(pc) =	sbr.rel @p0 .LBB2_1-.Ltmp0, $4  }
0xf: {  	[tilespmem:s9+$0x40] =	vst v0  }
0x10: {  	[tilespmem:s9+$0x30] =	vst v0  }
0x11: {  	[tilespmem:s9+$0x20] =	vst v0  }
0x12: {  	[tilespmem:s9+$0x10] =	vst v0  }
0x13: {  	s5 =	stileid.u32  }
0x14: {  	s0 =	smin.u32 s5, $0x5;
	s2 =	sshll.u32 s5, $0x2  }
0x15: {  	s0 =	sadd.s32 s0, s2  }
0x16: {  	p0 =	slt.u32 s5, $0x5;
	s7 =	smul.u32 $0xF0, s0;
	s0 =	simm.s32 $0x4B0  }
0x17: {  	s0 =	simm.s32 @!p0 $0x3C0  }
0x18: {  	s0 =	sadd.s32 s0, s7  }
0x19: {  	s8 =	smin.u32 s0, $0x4000  }
0x1a: {  	s0 =	ssub.s32 s8, s7  }
0x1b: {  	p0 =	sgt.s32 s0, $0x0  }
0x1c: {  	s0 =	simm.s32 @!p0 $0x0  }
0x1d: {  	s3 =	simm.s32 $0x2;
	s10 =	simm.s32 $0x9;
	s30 =	smul.u32 $0x8889, s0  }
0x1e: {  	s4 =	simm.s32 $0xA;
	s11 =	simm.s32 $0xB;
	s12 =	simm.s32 $0x1  }
0x1f: {  	s14 =	sadd.s32 s16, s14;
	s15 =	sadd.s32 s16, s15;
	s2 =	sshrl.u32 s30, $0x17  }
0x20: {  	s22 =	simm.s32 $0x0;
	s18 =	simm.s32 $0xC;
	s31 =	smul.u32 $0xF0, s2  }
.Ltmp1:
0x21: {  	[tilespmem:s9+$0x0] =	vst v0;
	v0 =	vimm.s32 $0xFFFFFFFF;
	s20 =	simm.s32 $0x0;
	[sflag:s3] =	ssyncpa.u1 $0x0;
	(pc) =	sbr.rel .LBB2_3-.Ltmp1, $4  }
0x22: {  	[tilespmem:$0xF208] =	vst v0;
	[sflag:s10] =	ssyncpa.u1 $0x0;
	p0 =	sne.s32 s0, s31;
	s0 =	simm.s32 $0x1  }
0x23: {  	s21 =	simm.s32 $0x0;
	[sflag:s4] =	ssyncpa.u1 $0x0;
	s0 =	simm.s32 @!p0 $0x0  }
0x24: {  	s16 =	sshll.u32 s5, $0x8;
	[sflag:s11] =	ssyncpa.u1 $0x0;
	s13 =	sadd.s32 s2, s0  }
0x25: {  	v0 =	vlaneseq.u32;
	s19 =	smov.u32 s7;
	p0 =	por $0x0, $0x0;
	s17 =	sadd.s32 $0x1, s13  }
.LBB2_18:
0x26: {  	s0 =	sshrl.u32 s31, $0x2  }
.LBB2_20:
0x27: {  	_ =	swait.ge [sflag:s18], s0  }
0x28: {  	s31 =	ssub.s32 $0x0, s0;
	v1 =	vmov s24;
	vm0 =	veq.s32 v0, $0x0;
	[sflag:s18] =	ssyncset.done $0x0  }
0x29: {  	vm15 =	veq.s32 v0, $0x2;
	v1 =	vsel vm0, s30, v1;
	[sflag:s18] =	ssyncadd.s32 s31  }
0x2a: {  	v1 =	vsel vm15, s22, v1;
	[sflag:s18] =	ssyncpa.u1 $0x1  }
0x2b: {  	[tilespmem:$0xF208] =	vst v1  }
.LBB2_21:
0x2c: {  	s0 =	sadd.s32 $0xF0, s19  }
0x2d: {  	s2 =	smov.u32 s7;
	p1 =	slt.s32 s0, s8  }
0x2e: {  	s2 =	smov.u32 @p1 s0;
	p1 =	sne.s32 s21, s17  }
.Ltmp2:
0x2f: {  	_ = 	snop;
	(pc) =	sbr.rel @!p1 .LBB2_22-.Ltmp2, $3  }
0x30: {  	_ =	sdelay $0x1  }
0x31: {  	s22 =	smov.u32 s20;
	s31 =	sadd.s32 $0x1, s21;
	s20 =	smov.u32 s19  }
0x32: {  	p0 =	por !p0, !p0;
	s21 =	smov.u32 s31;
	s19 =	smov.u32 s2  }
.LBB2_3:
0x33: {  	p1 =	sge.u32 s21, s13  }
0x34: {  	s0 =	smulhi.u32 @!p1 $0xAAAAAAAB, s21  }
0x35: {  	s2 =	smov.u32 s19;
	p2 =	sgt.s32 @!p1 s19, $0x3F10  }
0x36: {  	s3 =	sshra.s32 @!p1 s19, $0x1F;
	p2 =	por !p2, p1;
	s0 =	sshrl.u32 @!p1 s0, $0x1  }
0x37: {  	s3 =	sand.u32 @!p1 s3, s19;
	s2 =	simm.s32 @p2 $0x3F10;
	s0 =	smul.u32 @!p1 $0x3, s0  }
0x38: {  	s2 =	ssub.s32 @!p1 s2, s3  }
0x39: {  	s2 =	sadd.s32 @!p1 $0xFFFFC0F0, s2;
	s0 =	ssub.s32 @!p1 s21, s0  }
0x3a: {  	s3 =	sshll.u32 @!p1 s2, $0x2;
	p2 =	sgt.s32 @!p1 s2, $0xEF;
	s0 =	smul.u32 @!p1 $0x3C0, s0  }
0x3b: {  	s4 =	sand.u32 @!p1 $0x7, s19;
	s2 =	ssub.s32 @!p1 $0x3C0, s3;
	p2 =	por !p2, p1  }
0x3c: {  	s3 =	sshrl.u32 @!p1 s19, $0x3;
	s2 =	sshrl.u32 @!p1 s2, $0x2;
	s0 =	sshrl.u32 @!p1 s0, $0x2  }
0x3d: {  	s3 =	sadd.s32 @!p1 s3, s14;
	s2 =	simm.s32 @!p2 $0x0;
	s0 =	sadd.s32 @!p1 $0x10248, s0  }
0x3e: {  	[tilespmem:s0], [sflag:$0xA] =	stream.linear.gather @!p1 [hbm4b:s3+s4], s2, $0x38;
	[tilespmem:$0x1F6F8] =	vst v63  }
0x3f: {  	s0 =	sadd.s32 $0xFFFFFFFF, s21  }
0x40: {  	p1 =	sge.u32 s0, s13  }
0x41: {  	p2 =	sgt.s32 @!p1 s20, $0x3F10  }
0x42: {  	s2 =	smov.u32 s20;
	s3 =	sshra.s32 @!p1 s20, $0x1F;
	p2 =	por !p2, p1  }
0x43: {  	s3 =	sand.u32 @!p1 s3, s20;
	s2 =	simm.s32 @p2 $0x3F10  }
0x44: {  	s2 =	ssub.s32 @!p1 s2, s3  }
0x45: {  	s2 =	sadd.s32 @!p1 $0xFFFFC0F0, s2  }
0x46: {  	s4 =	sand.u32 @!p1 $0x1, s0;
	s3 =	sshll.u32 @!p1 s2, $0x2  }
0x47: {  	p2 =	sgt.s32 @!p1 s2, $0xEF;
	s2 =	ssub.s32 @!p1 $0x3C0, s3;
	s3 =	smulhi.u32 @!p1 $0xAAAAAAAB, s0  }
0x48: {  	s23 =	smul.u32 @!p1 $0x3C0, s4;
	p2 =	por !p2, p1;
	s2 =	sshrl.u32 @!p1 s2, $0x2  }
0x49: {  	s5 =	simm.s32 @!p1 $0xA;
	s2 =	simm.s32 @!p2 $0x0;
	s3 =	sshrl.u32 @!p1 s3, $0x1  }
0x4a: {  	s23 =	sshrl.u32 @!p1 s23, $0x2;
	_ =	swait.ge @!p1 [sflag:s5], s2;
	s3 =	smul.u32 @!p1 $0x3, s3  }
0x4b: {  	s23 =	sadd.s32 @!p1 $0x10518, s23;
	s24 =	ssub.s32 @!p1 $0x0, s2;
	[sflag:s5] =	ssyncset.done @!p1 $0x0  }
0x4c: {  	[sflag:s5] =	ssyncadd.s32 @!p1 s24;
	s5 =	sshrl.u32 @!p1 s20, $0x3;
	s0 =	ssub.s32 @!p1 s0, s3  }
0x4d: {  	s24 =	sand.u32 @!p1 $0x7, s20;
	s5 =	sadd.s32 @!p1 s5, s15;
	s0 =	smul.u32 @!p1 $0x3C0, s0  }
0x4e: {  	[tilespmem:s23], [sflag:$0xB] =	stream.linear.gather @!p1 [hbm4b:s5+s24], s2, $0x38;
	[tilespmem:$0x1F6F8] =	vst v63  }
0x4f: {  	s3 =	ssub.s32 @!p1 $0x4000, s20;
	s2 =	smul.u32 @!p1 $0x1E000, s4  }
0x50: {  	p2 =	slt.s32 @!p1 s3, $0xF0  }
0x51: {  	p2 =	por !p2, p1;
	s0 =	sshrl.u32 @!p1 s0, $0x2;
	s2 =	sshrl.u32 @!p1 s2, $0x2  }
0x52: {  	s3 =	simm.s32 @p2 $0xF0;
	s0 =	sadd.s32 @!p1 $0x10248, s0;
	s2 =	sor.u32 @!p1 $0x106F8, s2  }
0x53: {  	[tilespmem:s2], [sflag:$0x9] =	stream.indirect.gather @!p1 [hbm4b:s6+s3], $0x80, s0, s3, $0xb8;
	[tilespmem:$0x1F6F8] =	vst v63  }
0x54: {  	p1 =	slt.u32 s21, $0x2  }
.Ltmp3:
0x55: {  	_ = 	snop;
	(pc) =	sbr.rel @p1 .LBB2_21-.Ltmp3, $1  }
0x56: {  	_ =	sdelay $0x3  }
0x57: {  	p1 =	sgt.s32 s22, $0x3F10  }
0x58: {  	s0 =	smov.u32 s22;
	s2 =	sshra.s32 s22, $0x1F;
	s3 =	ssub.s32 $0x4000, s22  }
0x59: {  	s0 =	simm.s32 @!p1 $0x3F10;
	s2 =	sand.u32 s2, s22;
	p1 =	slt.s32 s3, $0xF0  }
0x5a: {  	s0 =	ssub.s32 s0, s2;
	s3 =	simm.s32 @!p1 $0xF0  }
0x5b: {  	s0 =	sadd.s32 $0xFFFFC0F0, s0;
	s25 =	sshll.u32 s3, $0x7  }
0x5c: {  	s26 =	sshll.u32 s0, $0x2;
	s2 =	sand.u32 $0x3FFFFF80, s25  }
0x5d: {  	p1 =	sgt.s32 s0, $0xEF;
	s29 =	ssub.s32 $0x3C0, s26;
	_ =	swait.ge [sflag:s10], s2  }
0x5e: {  	s2 =	ssub.s32 $0x0, s2;
	[sflag:s10] =	ssyncset.done $0x0;
	s0 =	sshrl.u32 s29, $0x2  }
0x5f: {  	[sflag:s10] =	ssyncadd.s32 s2;
	s0 =	simm.s32 @p1 $0x0  }
0x60: {  	_ =	swait.ge [sflag:s11], s0  }
0x61: {  	s0 =	ssub.s32 $0x0, s0;
	[sflag:s11] =	ssyncset.done $0x0  }
0x62: {  	[sflag:s11] =	ssyncadd.s32 s0  }
0x63: {  	v1 =	vld [tilespmem:$0xF208];
	_ =	sdelay $0x4  }
0x64: {  	(v2sf) =	vpush v1, $0x0  }
0x65: {  	(v2sf) =	vpush v1, $0x1  }
0x66: {  	(v2sf) =	vpush v1, $0x2;
	_ =	sdelay $0x3  }
0x67: {  	s0 =	sadd.s32 $0xF0, s22  }
0x68: {  	s2 =	ssub.s32 $0x8000, s22;
	p1 =	slt.s32 s8, s0  }
0x69: {  	s0 =	smov.u32 @p1 s8;
	p1 =	sgt.s32 s2, $0x0  }
0x6a: {  	s26 =	ssub.s32 s0, s22;
	s2 =	simm.s32 @!p1 $0x0  }
0x6b: {  	p1 =	slt.s32 s2, s26  }
0x6c: {  	s26 =	smov.u32 @p1 s2  }
0x6d: {  	s25 =	simm.s32 $0x1;
	p1 =	slt.s32 s26, $0x1  }
.Ltmp4:
0x6e: {  	s25 =	simm.s32 @!p0 $0x0;
	(pc) =	sbr.rel @p1 .LBB2_8-.Ltmp4, $4  }
0x6f: {  	s31 =	smul.u32 $0x3C0, s25  }
0x70: {  	s28 =	spop (v2sf)  }
0x71: {  	s0 =	sshrl.u32 s31, $0x2;
	s30 =	spop (v2sf)  }
0x72: {  	s23 =	sadd.s32 $0x10518, s0;
	s22 =	spop (v2sf)  }
0x73: {  	s0 =	smin.u32 s26, $0x10  }
0x74: {  	v1 =	vmov s0  }
0x75: {  	p2 =	sgt.s32 s26, $0x10;
	vm1 =	vgt.u32 v1, v0  }
.Ltmp5:
0x76: {  	_ = 	snop;
	(pc) =	sbr.rel @!p2 .LBB2_7-.Ltmp5, $2  }
0x77: {  	_ =	sdelay $0x2  }
0x78: {  	s4 =	simm.s32 $0x10;
	s24 =	sadd.s32 $0xFFFFFFF0, s26;
	s0 =	smov.u32 s23;
	vm0 =	vmmov vm1  }
.LBB2_6:
0x79: {  	s2 =	smin.u32 s24, $0x10;
	s4 =	sadd.s32 $0x10, s4;
	v1 =	vld.msk [tilespmem:s0+$0x0 ss:$0x1], vm1  }
0x7a: {  	v2 =	vmov s2;
	p2 =	slt.s32 s4, s26  }
0x7b: {  	vm1 =	vgt.u32 v2, v0  }
.Ltmp6:
0x7c: {  	(pc) =	sbr.rel @p2 .LBB2_6-.Ltmp6, $3  }
0x7d: {  	_ =	sdelay $0x1  }
0x7e: {  	v1 =	vshll.u32 v1, $0x4  }
0x7f: {  	s24 =	sadd.s32 $0xFFFFFFF0, s24;
	[tilespmem:s0+$0x0] =	vst.msk vm0, v1;
	s0 =	sadd.s32 $0x10, s0;
	vm0 =	vmmov vm1  }
.LBB2_7:
0x80: {  	_ =	sdelay $0x4  }
0x81: {  	v1 =	vld.msk [tilespmem:s0+$0x0 ss:$0x1], vm1;
	_ =	sdelay $0x4  }
0x82: {  	v1 =	vshll.u32 v1, $0x4  }
0x83: {  	[tilespmem:s0+$0x0] =	vst.msk vm0, v1  }
.LBB2_8:
0x84: {  	s0 =	sand.u32 $0x1, s21  }
0x85: {  	s2 =	smul.u32 $0x7800, s0  }
0x86: {  	p2 =	sne.s32 s30, $0xFFFFFFFF  }
0x87: {  	v1 =	vld @!p2 [tilespmem:s2+$0x106F8];
	_ =	sdelay $0x2  }
0x88: {  	s0 =	smul.u32 $0xF0, s0;
	_ =	sdelay $0x1  }
0x89: {  	v2 =	vld.msk @!p2 [tilespmem:s0+$0x10518], $0x1;
	[tilespmem:$0x108] =	vst @!p2 v1  }
0x8a: {  	v1 =	vld @!p2 [tilespmem:s2+$0x10708];
	_ =	sdelay $0x4  }
0x8b: {  	[tilespmem:$0x118] =	vst @!p2 v1  }
0x8c: {  	v1 =	vld @!p2 [tilespmem:s2+$0x10718];
	_ =	sdelay $0x4  }
0x8d: {  	[tilespmem:$0x128] =	vst @!p2 v1  }
0x8e: {  	v1 =	vld @!p2 [tilespmem:s2+$0x10728];
	_ =	sdelay $0x4  }
0x8f: {  	[tilespmem:$0x138] =	vst @!p2 v1  }
0x90: {  	v1 =	vld @!p2 [tilespmem:s2+$0x10738];
	_ =	sdelay $0x4  }
0x91: {  	[tilespmem:$0x148] =	vst @!p2 v1  }
0x92: {  	(v2sf) =	vpush @!p2 v2, $0x0;
	v1 =	vld @!p2 [tilespmem:s2+$0x10748];
	_ =	sdelay $0x4  }
0x93: {  	[tilespmem:$0x158] =	vst @!p2 v1  }
0x94: {  	v1 =	vld @!p2 [tilespmem:s2+$0x10758];
	_ =	sdelay $0x4  }
0x95: {  	[tilespmem:$0x168] =	vst @!p2 v1  }
0x96: {  	v1 =	vld @!p2 [tilespmem:s2+$0x10768]  }
.Ltmp7:
0x97: {  	_ = 	snop;
	(pc) =	sbr.rel @p1 .LBB2_19-.Ltmp7, $4  }
0x98: {  	_ = 	snop  }
0x99: {  	s29 =	spop @!p2 (v2sf)  }
0x9a: {  	s22 =	simm.s32 @!p2 $0x0;
	s24 =	smov.u32 s29  }
0x9b: {  	s29 =	smov.u32 @p2 s28;
	s24 =	smov.u32 @p2 s30;
	[tilespmem:$0x178] =	vst @!p2 v1;
	[sflag:s18] =	ssyncpa.u1 $0x0  }
0x9c: {  	v1 =	vld.msk [tilespmem:s23+$0x0], $0x1;
	_ =	sdelay $0x4  }
0x9d: {  	(v2sf) =	vpush v1, $0x0;
	_ =	sdelay $0xe  }
0x9e: {  	s2 =	smul.u32 $0x1E000, s25;
	s0 =	spop (v2sf)  }
0x9f: {  	s26 =	ssub.s32 $0x0, s26;
	p1 =	seq.s32 s29, s0  }
0xa0: {  	s30 =	sadd.s32 $0x1, s26;
	s2 =	sshrl.u32 s2, $0x2;
	p2 =	sgt.s32 @!p1 s29, $0x0  }
0xa1: {  	s25 =	sor.u32 $0x10738, s2;
	s2 =	smov.u32 s29;
	p2 =	por !p2, p1  }
0xa2: {  	s2 =	simm.s32 @p2 $0x0;
	p2 =	seq.s32 s30, $0x0  }
.Ltmp8:
0xa3: {  	_ = 	snop;
	(pc) =	sbr.rel @p2 .LBB2_11-.Ltmp8, $4  }
0xa4: {  	_ = 	snop  }
0xa5: {  	s28 =	simm.s32 $0x0;
	s31 =	sadd.s32 $0x1, s23;
	s2 =	smin.u32 @!p1 s2, $0x1FF0  }
0xa6: {  	s4 =	simm.s32 @!p1 $0x1;
	s5 =	simm.s32 @!p1 $0x7988;
	s3 =	sand.u32 @!p1 $0x1FF8, s2  }
0xa7: {  	s4 =	smov.u32 @p1 s28;
	s2 =	sand.u32 @!p1 $0x7, s2;
	s3 =	sadd.s32 @!p1 s1, s3  }
.LBB2_10:
0xa8: {  	s9 =	smov.u32 s4  }
0xa9: {  	[tilespmem:s5], [sflag:$0x2] =	stream.linear.gather @!p1 [hbm4b:s3+s2], $0x80, $0x38;
	[tilespmem:$0x1F6F8] =	vst v63  }
0xaa: {  	s30 =	sadd.s32 $0x1, s30;
	s2 =	smov.u32 s0;
	v1 =	vld.msk [tilespmem:s31+$0x0], $0x1  }
0xab: {  	p2 =	seq.s32 s30, $0x0;
	_ =	sdelay $0x3  }
0xac: {  	(v2sf) =	vpush v1, $0x0;
	_ =	sdelay $0xe  }
0xad: {  	s0 =	spop (v2sf)  }
0xae: {  	p1 =	seq.s32 s2, s0  }
0xaf: {  	p3 =	sgt.s32 @!p1 s2, $0x0;
	s3 =	sshll.u32 @!p1 s4, $0x9;
	s4 =	sadd.s32 @!p1 $0x1, s4  }
.Ltmp9:
0xb0: {  	p3 =	por !p3, p1;
	s3 =	sshra.s32 @!p1 s3, $0x2;
	(pc) =	sbr.rel @!p2 .LBB2_10-.Ltmp9, $4  }
0xb1: {  	s4 =	smov.u32 @p1 s9;
	s2 =	simm.s32 @p3 $0x0;
	s5 =	sadd.s32 @!p1 $0x7988, s3  }
0xb2: {  	s2 =	smin.u32 @!p1 s2, $0x1FF0  }
0xb3: {  	s3 =	sand.u32 @!p1 $0x1FF8, s2;
	s2 =	sand.u32 @!p1 $0x7, s2  }
0xb4: {  	s31 =	sadd.s32 $0x1, s31;
	s3 =	sadd.s32 @!p1 s1, s3  }
.LBB2_11:
0xb5: {  	[tilespmem:s5], [sflag:$0x2] =	stream.linear.gather @!p1 [hbm4b:s3+s2], $0x80, $0x38;
	[tilespmem:$0x1F6F8] =	vst v63  }
.Ltmp10:
0xb6: {  	s0 =	sshll.u32 s4, $0x7;
	(pc) =	sbr.rel .LBB2_12-.Ltmp10, $4  }
0xb7: {  	s30 =	simm.s32 $0x2;
	s0 =	sand.u32 $0x3FFFFF80, s0  }
0xb8: {  	_ =	swait.ge [sflag:s30], s0  }
0xb9: {  	s0 =	ssub.s32 $0x0, s0;
	[sflag:s30] =	ssyncset.done $0x0  }
0xba: {  	s31 =	simm.s32 $0x0;
	[sflag:s30] =	ssyncadd.s32 s0  }
.LBB2_13:
0xbb: {  	s0 =	sshra.s32 s0, $0x2;
	v1 =	vld [tilespmem:s25+$0xFFFFFFC0]  }
0xbc: {  	v2 =	vld [tilespmem:s0+$0x108];
	_ =	sdelay $0x4  }
0xbd: {  	v1 =	vmax.f32 v1, v2  }
0xbe: {  	v2 =	vld [tilespmem:s0+$0x118];
	[tilespmem:s0+$0x108] =	vst v1  }
0xbf: {  	v1 =	vld [tilespmem:s25+$0xFFFFFFD0];
	_ =	sdelay $0x4  }
0xc0: {  	v1 =	vmax.f32 v1, v2  }
0xc1: {  	v2 =	vld [tilespmem:s0+$0x128];
	[tilespmem:s0+$0x118] =	vst v1  }
0xc2: {  	v1 =	vld [tilespmem:s25+$0xFFFFFFE0];
	_ =	sdelay $0x4  }
0xc3: {  	v1 =	vmax.f32 v1, v2  }
0xc4: {  	v2 =	vld [tilespmem:s0+$0x138];
	[tilespmem:s0+$0x128] =	vst v1  }
0xc5: {  	v1 =	vld [tilespmem:s25+$0xFFFFFFF0];
	_ =	sdelay $0x4  }
0xc6: {  	v1 =	vmax.f32 v1, v2  }
0xc7: {  	v2 =	vld [tilespmem:s0+$0x148];
	[tilespmem:s0+$0x138] =	vst v1  }
0xc8: {  	v1 =	vld [tilespmem:s25+$0x0];
	_ =	sdelay $0x4  }
0xc9: {  	v1 =	vmax.f32 v1, v2  }
0xca: {  	v2 =	vld [tilespmem:s0+$0x158];
	[tilespmem:s0+$0x148] =	vst v1  }
0xcb: {  	v1 =	vld [tilespmem:s25+$0x10];
	_ =	sdelay $0x4  }
0xcc: {  	v1 =	vmax.f32 v1, v2  }
0xcd: {  	v2 =	vld [tilespmem:s0+$0x168];
	[tilespmem:s0+$0x158] =	vst v1  }
0xce: {  	v1 =	vld [tilespmem:s25+$0x20];
	_ =	sdelay $0x4  }
0xcf: {  	v1 =	vmax.f32 v1, v2  }
0xd0: {  	v2 =	vld [tilespmem:s0+$0x178];
	[tilespmem:s0+$0x168] =	vst v1  }
0xd1: {  	v1 =	vld [tilespmem:s25+$0x30];
	_ =	sdelay $0x4  }
0xd2: {  	v1 =	vmax.f32 v1, v2  }
0xd3: {  	[tilespmem:s0+$0x178] =	vst v1  }
.LBB2_17:
0xd4: {  	s26 =	sadd.s32 $0x1, s26  }
0xd5: {  	p1 =	seq.s32 s26, $0x0  }
.Ltmp11:
0xd6: {  	_ = 	snop;
	(pc) =	sbr.rel @p1 .LBB2_18-.Ltmp11, $2  }
0xd7: {  	_ =	sdelay $0x2  }
0xd8: {  	s23 =	sadd.s32 $0x1, s23;
	s25 =	sadd.s32 $0x80, s25;
	s29 =	smov.u32 s30  }
.LBB2_12:
0xd9: {  	v1 =	vld.msk [tilespmem:s23+$0x0], $0x1;
	_ =	sdelay $0x4  }
0xda: {  	(v2sf) =	vpush v1, $0x0;
	_ =	sdelay $0xe  }
0xdb: {  	s30 =	spop (v2sf)  }
0xdc: {  	p1 =	sne.s32 s29, s30  }
.Ltmp12:
0xdd: {  	_ = 	snop;
	(pc) =	sbr.rel @!p1 .LBB2_13-.Ltmp12, $2  }
0xde: {  	_ =	sdelay $0x2  }
0xdf: {  	s0 =	sshll.u32 s22, $0x9  }
0xe0: {  	p1 =	seq.s32 s29, s24  }
.Ltmp13:
0xe1: {  	_ = 	snop;
	(pc) =	sbr.rel @!p1 .LBB2_15-.Ltmp13, $1  }
0xe2: {  	_ =	sdelay $0x3  }
0xe3: {  	s0 =	sshra.s32 s0, $0x2  }
.Ltmp14:
0xe4: {  	s0 =	sadd.s32 $0x108, s0;
	(pc) =	sbr.rel .LBB2_16-.Ltmp14, $4  }
0xe5: {  	[spmem:s16] =	stream.linear.scatter [tilespmem:s0], [sflag:$0x1], $0x80, $0x38;
	[tilespmem:$0x1F6F8] =	vst v63  }
0xe6: {  	_ =	swait.ge [sflag:s12], $0x80  }
0xe7: {  	[sflag:s12] =	ssyncset.done $0x0  }
0xe8: {  	[sflag:s12] =	ssyncadd.s32 $0xFFFFFF80  }
.LBB2_15:
0xe9: {  	s2 =	sshll.u32 s28, $0x9;
	s0 =	sshra.s32 s0, $0x2  }
0xea: {  	s2 =	sshra.s32 s2, $0x2;
	v2 =	vld [tilespmem:s0+$0x108]  }
0xeb: {  	v1 =	vld [tilespmem:s2+$0x7988];
	_ =	sdelay $0x4  }
0xec: {  	v1 =	vmax.f32 v1, v2  }
0xed: {  	v2 =	vld [tilespmem:s0+$0x118];
	[tilespmem:s0+$0x108] =	vst v1  }
0xee: {  	v1 =	vld [tilespmem:s2+$0x7998];
	_ =	sdelay $0x4  }
0xef: {  	v1 =	vmax.f32 v1, v2  }
0xf0: {  	v2 =	vld [tilespmem:s0+$0x128];
	[tilespmem:s0+$0x118] =	vst v1  }
0xf1: {  	v1 =	vld [tilespmem:s2+$0x79A8];
	_ =	sdelay $0x4  }
0xf2: {  	v1 =	vmax.f32 v1, v2  }
0xf3: {  	v2 =	vld [tilespmem:s0+$0x138];
	[tilespmem:s0+$0x128] =	vst v1  }
0xf4: {  	v1 =	vld [tilespmem:s2+$0x79B8];
	_ =	sdelay $0x4  }
0xf5: {  	v1 =	vmax.f32 v1, v2  }
0xf6: {  	v2 =	vld [tilespmem:s0+$0x148];
	[tilespmem:s0+$0x138] =	vst v1  }
0xf7: {  	v1 =	vld [tilespmem:s2+$0x79C8];
	_ =	sdelay $0x4  }
0xf8: {  	v1 =	vmax.f32 v1, v2  }
0xf9: {  	v2 =	vld [tilespmem:s0+$0x158];
	[tilespmem:s0+$0x148] =	vst v1  }
0xfa: {  	v1 =	vld [tilespmem:s2+$0x79D8];
	_ =	sdelay $0x4  }
0xfb: {  	v1 =	vmax.f32 v1, v2  }
0xfc: {  	v2 =	vld [tilespmem:s0+$0x168];
	[tilespmem:s0+$0x158] =	vst v1  }
0xfd: {  	v1 =	vld [tilespmem:s2+$0x79E8];
	_ =	sdelay $0x4  }
0xfe: {  	v1 =	vmax.f32 v1, v2  }
0xff: {  	v2 =	vld [tilespmem:s0+$0x178];
	[tilespmem:s0+$0x168] =	vst v1  }
0x100: {  	v1 =	vld [tilespmem:s2+$0x79F8];
	_ =	sdelay $0x3  }
0x101: {  	p1 =	sgt.u32 s29, $0x1FF0  }
0x102: {  	s2 =	sand.u32 @!p1 $0x1FF8, s29;
	v1 =	vmax.f32 v1, v2  }
0x103: {  	s3 =	sadd.s32 $0x108, s0;
	[tilespmem:s0+$0x178] =	vst v1;
	s0 =	sadd.s32 @!p1 s1, s2;
	s2 =	sand.u32 @!p1 $0x7, s29  }
0x104: {  	[hbm4b:s0+s2] =	stream.linear.scatter @!p1 [tilespmem:s3], [sflag:$0xC], $0x80, $0x38;
	[tilespmem:$0x1F6F8] =	vst v63  }
0x105: {  	s0 =	simm.s32 $0x0  }
0x106: {  	s0 =	simm.s32 @!p1 $0x200  }
0x107: {  	s31 =	sadd.s32 s0, s31  }
.LBB2_16:
0x108: {  	s0 =	sadd.s32 $0x1, s22  }
0x109: {  	s2 =	smulhi.u32 $0x88888889, s0;
	_ =	sdelay $0x1  }
0x10a: {  	v1 =	vld [tilespmem:s25+$0xFFFFFFC0];
	s2 =	sshrl.u32 s2, $0x7  }
0x10b: {  	s2 =	smul.u32 $0xF0, s2;
	_ =	sdelay $0x1  }
0x10c: {  	s22 =	ssub.s32 s0, s2  }
0x10d: {  	s0 =	sshll.u32 s22, $0x7  }
0x10e: {  	[tilespmem:s0+$0x108] =	vst v1  }
0x10f: {  	v1 =	vld [tilespmem:s25+$0xFFFFFFD0];
	_ =	sdelay $0x4  }
0x110: {  	[tilespmem:s0+$0x118] =	vst v1  }
0x111: {  	v1 =	vld [tilespmem:s25+$0xFFFFFFE0];
	_ =	sdelay $0x4  }
0x112: {  	[tilespmem:s0+$0x128] =	vst v1  }
0x113: {  	v1 =	vld [tilespmem:s25+$0xFFFFFFF0];
	_ =	sdelay $0x4  }
0x114: {  	[tilespmem:s0+$0x138] =	vst v1  }
0x115: {  	v1 =	vld [tilespmem:s25+$0x0];
	_ =	sdelay $0x4  }
0x116: {  	[tilespmem:s0+$0x148] =	vst v1  }
0x117: {  	v1 =	vld [tilespmem:s25+$0x10];
	_ =	sdelay $0x4  }
0x118: {  	[tilespmem:s0+$0x158] =	vst v1  }
0x119: {  	v1 =	vld [tilespmem:s25+$0x20];
	_ =	sdelay $0x4  }
0x11a: {  	[tilespmem:s0+$0x168] =	vst v1  }
0x11b: {  	v1 =	vld [tilespmem:s25+$0x30]  }
.Ltmp15:
0x11c: {  	_ = 	snop;
	(pc) =	sbr.rel .LBB2_17-.Ltmp15, $2  }
0x11d: {  	_ =	sdelay $0x2  }
0x11e: {  	s28 =	sadd.s32 $0x1, s28;
	[tilespmem:s0+$0x178] =	vst v1  }
.LBB2_19:
.Ltmp16:
0x11f: {  	(pc) =	sbr.rel .LBB2_20-.Ltmp16, $4  }
0x120: {  	_ = 	snop  }
0x121: {  	s0 =	simm.s32 $0x2  }
0x122: {  	_ =	swait.ge [sflag:s0], $0x0  }
0x123: {  	s30 =	smov.u32 s29;
	[sflag:s0] =	ssyncset.done $0x0;
	s0 =	simm.s32 $0x0  }
.LBB2_22:
0x124: {  	_ =	sfence.sel $0x180000  }
0x125: {  	s0 =	simm.s32 $0x9;
	[bflag:$0x0] =	sbarrier.arrive $0xFFFF  }
0x126: {  	s24 =	simm.s32 $0xA;
	[sflag:s0] =	ssyncpa.u1 $0x1  }
0x127: {  	s25 =	simm.s32 $0xB;
	[sflag:s24] =	ssyncpa.u1 $0x1  }
0x128: {  	s26 =	simm.s32 $0x2;
	[sflag:s25] =	ssyncpa.u1 $0x1  }
0x129: {  	[sflag:s26] =	ssyncpa.u1 $0x1  }
0x12a: {  	v0 =	vld [tilespmem:$0xF208];
	_ =	sdelay $0x4  }
0x12b: {  	(v2sf) =	vpush v0, $0x0  }
0x12c: {  	(v2sf) =	vpush v0, $0x1;
	_ =	sdelay $0x1  }
0x12d: {  	(v2sf) =	vpush v0, $0x2;
	_ =	sdelay $0xb  }
0x12e: {  	s0 =	spop (v2sf)  }
0x12f: {  	s2 =	spop (v2sf)  }
0x130: {  	s3 =	smov.u32 s0;
	p0 =	sne.s32 s0, s2  }
0x131: {  	s4 =	spop (v2sf);
	s3 =	simm.s32 @!p0 $0xFFFFFFFF  }
0x132: {  	v2 =	vimm.s32 $0x1;
	v3 =	vlaneseq.u32;
	p0 =	seq.s32 s4, $0xFFFFFFFF;
	v1 =	vmov s3  }
0x133: {  	s16 =	stileid.u32;
	v0 =	vperm.xlane v0, v2;
	p1 =	sne.s32 @!p0 s0, s2;
	v1 =	vperm.xlane v1, v3  }
0x134: {  	vm0 =	vcmask $0x3F04;
	s6 =	simm.s32 $0xF208;
	s0 =	simm.s32 @!p0 $0x1;
	p1 =	por !p1, p0  }
0x135: {  	s3 =	sshll.u32 s16, $0x1;
	s2 =	sshll.u32 @!p0 s4, $0x9;
	s0 =	simm.s32 @p1 $0x0;
	v0 =	vsel vm0, v1, v0  }
0x136: {  	s5 =	sor.u32 $0x1000, s3;
	s2 =	sshra.s32 @!p0 s2, $0x2;
	s0 =	sor.u32 @!p0 s0, s3;
	[tilespmem:$0xF208] =	vst v0  }
0x137: {  	[spmem:s5] =	stream.linear.scatter [tilespmem:s6], [sflag:$0x1], $0x2, $0x38;
	[tilespmem:$0x1F6F8] =	vst v63  }
0x138: {  	s2 =	sadd.s32 @!p0 $0x108, s2;
	s0 =	sshll.u32 @!p0 s0, $0x7  }
0x139: {  	[spmem:s0] =	stream.linear.scatter @!p0 [tilespmem:s2], [sflag:$0x1], $0x80, $0x38;
	[tilespmem:$0x1F6F8] =	vst v63  }
0x13a: {  	s0 =	simm.s32 @!p0 $0x82  }
0x13b: {  	s28 =	simm.s32 $0x1;
	s0 =	simm.s32 @p0 $0x2  }
0x13c: {  	_ =	swait.ge [sflag:s28], s0  }
0x13d: {  	s0 =	ssub.s32 $0x0, s0;
	[sflag:s28] =	ssyncset.done $0x0  }
0x13e: {  	p0 =	sne.s32 s16, $0x0;
	[sflag:s28] =	ssyncadd.s32 s0  }
.Ltmp17:
0x13f: {  	_ =	sfence.stream.spmem;
	(pc) =	sbr.rel @p0 .LBB2_39-.Ltmp17, $4  }
0x140: {  	s29 =	simm.s32 $0x3;
	[bflag:$0x0] =	sbarrier.arrive $0xFFFF  }
0x141: {  	s30 =	simm.s32 $0x4;
	[sflag:s29] =	ssyncpa.u1 $0x1  }
0x142: {  	s31 =	simm.s32 $0x3C;
	[sflag:s30] =	ssyncpa.u1 $0x1  }
0x143: {  	s15 =	rddreg [dreg:$0x4];
	[sflag:s31] =	ssyncpa.u1 $0x1  }
0x144: {  	_ =	sfence.stream.spmem;
	s0 =	simm.s32 $0x5  }
0x145: {  	s2 =	simm.s32 $0x1000;
	s3 =	simm.s32 $0xF218;
	[sflag:s0] =	ssyncpa.u1 $0x0  }
0x146: {  	[tilespmem:s3], [sflag:$0x5] =	stream.linear.gather [spmem:s2], $0x20, $0x38;
	[tilespmem:$0x1F6F8] =	vst v63  }
0x147: {  	s26 =	simm.s32 $0x0;
	s28 =	simm.s32 $0xF238  }
0x148: {  	[tilespmem:s28], [sflag:$0x5] =	stream.linear.gather [spmem:s26], $0x1000, $0x38;
	[tilespmem:$0x1F6F8] =	vst v63  }
0x149: {  	_ =	swait.ge [sflag:s0], $0x1020  }
0x14a: {  	[sflag:s0] =	ssyncset.done $0x0  }
0x14b: {  	s29 =	simm.s32 $0x0;
	[sflag:s0] =	ssyncadd.s32 $0xFFFFEFE0  }
0x14c: {  	v0 =	vld.msk [tilespmem:s29+$0xF218], $0x1;
	_ =	sdelay $0x1  }
0x14d: {  	s30 =	simm.s32 $0x1  }
0x14e: {  	v1 =	vld.msk [tilespmem:s30+$0xF218], $0x1;
	_ =	sdelay $0x1  }
0x14f: {  	(v2sf) =	vpush v0, $0x0;
	_ =	sdelay $0x2  }
0x150: {  	(v2sf) =	vpush v1, $0x0;
	_ =	sdelay $0x2  }
0x151: {  	s31 =	simm.s32 $0x2  }
0x152: {  	v0 =	vld.msk [tilespmem:s31+$0xF218], $0x1;
	_ =	sdelay $0x2  }
0x153: {  	s4 =	simm.s32 $0xFFFFFFFF;
	s5 =	simm.s32 $0xFFFFFFFF;
	s0 =	simm.s32 $0xC  }
.LBB2_24:
0x154: {  	s2 =	smov.u32 s5;
	s3 =	smov.u32 s4  }
0x155: {  	s4 =	sshra.s32 s0, $0x2;
	p1 =	sne.s32 s0, $0x7C;
	s0 =	sadd.s32 $0x4, s0;
	(v2sf) =	vpush v0, $0x0  }
0x156: {  	v0 =	vld.msk [tilespmem:s4+$0xF218], $0x1  }
.Ltmp18:
0x157: {  	(pc) =	sbr.rel @p1 .LBB2_24-.Ltmp18, $4  }
0x158: {  	s5 =	spop (v2sf)  }
0x159: {  	p2 =	sne.s32 s3, $0xFFFFFFFF;
	s4 =	smov.u32 s5  }
0x15a: {  	p3 =	seq.s32 s5, $0xFFFFFFFF;
	s4 =	smov.u32 @p2 s3  }
0x15b: {  	s5 =	smov.u32 @p3 s2;
	s4 =	smov.u32 @p3 s3  }
0x15c: {  	(v2sf) =	vpush v0, $0x0;
	_ =	sdelay $0x8  }
0x15d: {  	s0 =	spop (v2sf)  }
0x15e: {  	p1 =	sne.s32 s4, $0xFFFFFFFF;
	s2 =	smov.u32 s0  }
0x15f: {  	s9 =	simm.s32 $0x6;
	p2 =	seq.s32 s0, $0xFFFFFFFF;
	s2 =	smov.u32 @p1 s4  }
0x160: {  	s6 =	simm.s32 $0x0;
	s2 =	smov.u32 @p2 s4;
	s3 =	spop (v2sf)  }
0x161: {  	s0 =	smov.u32 @p2 s5;
	p1 =	sne.s32 s2, $0xFFFFFFFF;
	s4 =	smov.u32 s3  }
.Ltmp19:
0x162: {  	p2 =	seq.s32 s3, $0xFFFFFFFF;
	s4 =	smov.u32 @p1 s2;
	(pc) =	sbr.rel .LBB2_26-.Ltmp19, $4  }
0x163: {  	s10 =	simm.s32 $0xF188;
	s4 =	smov.u32 @p2 s2;
	s7 =	spop (v2sf)  }
0x164: {  	s11 =	simm.s32 $0x0;
	p1 =	sne.s32 s4, $0xFFFFFFFF;
	s8 =	smov.u32 s7  }
0x165: {  	s3 =	smov.u32 @p2 s0;
	p2 =	seq.s32 s7, $0xFFFFFFFF;
	s8 =	smov.u32 @p1 s4  }
0x166: {  	[sflag:s9] =	ssyncpa.u1 $0x0;
	s7 =	smov.u32 @p2 s3;
	s8 =	smov.u32 @p2 s4  }
.LBB2_32:
0x167: {  	p1 =	sgt.u32 s12, $0x1FF0  }
0x168: {  	p2 =	seq.s32 @!p1 s12, s8  }
0x169: {  	p1 =	por p1, p2  }
0x16a: {  	p2 =	sne.s32 @!p1 s12, s7  }
0x16b: {  	p1 =	por p1, !p2  }
0x16c: {  	s0 =	sshll.u32 @p1 s11, $0x9  }
0x16d: {  	s0 =	sand.u32 @!p1 $0x1FF8, s12  }
0x16e: {  	s2 =	sand.u32 @!p1 $0x7, s12;
	s0 =	sadd.s32 @!p1 s1, s0  }
0x16f: {  	[tilespmem:s10], [sflag:$0x6] =	stream.linear.gather @!p1 [hbm4b:s0+s2], $0x80, $0x38;
	[tilespmem:$0x1F6F8] =	vst v63  }
0x170: {  	_ =	swait.ge @!p1 [sflag:s9], $0x80  }
0x171: {  	[sflag:s9] =	ssyncset.done @!p1 $0x0  }
0x172: {  	s0 =	sshll.u32 @!p1 s11, $0x9;
	[sflag:s9] =	ssyncadd.s32 @!p1 $0xFFFFFF80  }
0x173: {  	s2 =	sshrl.u32 @!p1 s0, $0x2;
	v1 =	vld @!p1 [tilespmem:$0xF188]  }
0x174: {  	v2 =	vld @!p1 [tilespmem:s2+$0xF238];
	_ =	sdelay $0x4  }
0x175: {  	v1 =	vmax.f32 @!p1 v1, v2  }
0x176: {  	v2 =	vld @!p1 [tilespmem:s2+$0xF248];
	[tilespmem:s2+$0xF238] =	vst @!p1 v1  }
0x177: {  	v1 =	vld @!p1 [tilespmem:$0xF198];
	_ =	sdelay $0x4  }
0x178: {  	v1 =	vmax.f32 @!p1 v1, v2  }
0x179: {  	v2 =	vld @!p1 [tilespmem:s2+$0xF258];
	[tilespmem:s2+$0xF248] =	vst @!p1 v1  }
0x17a: {  	v1 =	vld @!p1 [tilespmem:$0xF1A8];
	_ =	sdelay $0x4  }
0x17b: {  	v1 =	vmax.f32 @!p1 v1, v2  }
0x17c: {  	v2 =	vld @!p1 [tilespmem:s2+$0xF268];
	[tilespmem:s2+$0xF258] =	vst @!p1 v1  }
0x17d: {  	v1 =	vld @!p1 [tilespmem:$0xF1B8];
	_ =	sdelay $0x4  }
0x17e: {  	v1 =	vmax.f32 @!p1 v1, v2  }
0x17f: {  	v2 =	vld @!p1 [tilespmem:s2+$0xF278];
	[tilespmem:s2+$0xF268] =	vst @!p1 v1  }
0x180: {  	v1 =	vld @!p1 [tilespmem:$0xF1C8];
	_ =	sdelay $0x4  }
0x181: {  	v1 =	vmax.f32 @!p1 v1, v2  }
0x182: {  	v2 =	vld @!p1 [tilespmem:s2+$0xF288];
	[tilespmem:s2+$0xF278] =	vst @!p1 v1  }
0x183: {  	v1 =	vld @!p1 [tilespmem:$0xF1D8];
	_ =	sdelay $0x4  }
0x184: {  	v1 =	vmax.f32 @!p1 v1, v2  }
0x185: {  	v2 =	vld @!p1 [tilespmem:s2+$0xF298];
	[tilespmem:s2+$0xF288] =	vst @!p1 v1  }
0x186: {  	v1 =	vld @!p1 [tilespmem:$0xF1E8];
	_ =	sdelay $0x4  }
0x187: {  	v1 =	vmax.f32 @!p1 v1, v2  }
0x188: {  	v2 =	vld @!p1 [tilespmem:s2+$0xF2A8];
	[tilespmem:s2+$0xF298] =	vst @!p1 v1  }
0x189: {  	v1 =	vld @!p1 [tilespmem:$0xF1F8];
	_ =	sdelay $0x4  }
0x18a: {  	v1 =	vmax.f32 @!p1 v1, v2  }
0x18b: {  	[tilespmem:s2+$0xF2A8] =	vst @!p1 v1  }
0x18c: {  	s0 =	sshrl.u32 s0, $0x2;
	[tilespmem:s6+$0xF218] =	vst.msk $0x1, v0  }
0x18d: {  	v0 =	vld [tilespmem:s0+$0xF238];
	_ =	sdelay $0x2  }
0x18e: {  	s31 =	sshll.u32 s6, $0x9  }
0x18f: {  	s2 =	sshra.s32 s31, $0x2  }
0x190: {  	[tilespmem:s2+$0xF238] =	vst v0  }
0x191: {  	v0 =	vld [tilespmem:s0+$0xF248];
	_ =	sdelay $0x4  }
0x192: {  	[tilespmem:s2+$0xF248] =	vst v0  }
0x193: {  	v0 =	vld [tilespmem:s0+$0xF258];
	_ =	sdelay $0x4  }
0x194: {  	[tilespmem:s2+$0xF258] =	vst v0  }
0x195: {  	v0 =	vld [tilespmem:s0+$0xF268];
	_ =	sdelay $0x4  }
0x196: {  	[tilespmem:s2+$0xF268] =	vst v0  }
0x197: {  	v0 =	vld [tilespmem:s0+$0xF278];
	_ =	sdelay $0x4  }
0x198: {  	[tilespmem:s2+$0xF278] =	vst v0  }
0x199: {  	v0 =	vld [tilespmem:s0+$0xF288];
	_ =	sdelay $0x4  }
0x19a: {  	[tilespmem:s2+$0xF288] =	vst v0  }
0x19b: {  	v0 =	vld [tilespmem:s0+$0xF298];
	_ =	sdelay $0x4  }
0x19c: {  	[tilespmem:s2+$0xF298] =	vst v0  }
0x19d: {  	v0 =	vld [tilespmem:s0+$0xF2A8];
	_ =	sdelay $0x4  }
0x19e: {  	s6 =	sadd.s32 $0x1, s6;
	[tilespmem:s2+$0xF2A8] =	vst v0  }
.LBB2_33:
0x19f: {  	s11 =	sadd.s32 $0x1, s11  }
0x1a0: {  	p1 =	sne.s32 s11, $0x20  }
.Ltmp20:
0x1a1: {  	_ = 	snop;
	(pc) =	sbr.rel @!p1 .LBB2_34-.Ltmp20, $1  }
0x1a2: {  	_ =	sdelay $0x3  }
.LBB2_26:
0x1a3: {  	v0 =	vld.msk [tilespmem:s11+$0xF218], $0x1;
	_ =	sdelay $0x4  }
0x1a4: {  	(v2sf) =	vpush v0, $0x0;
	_ =	sdelay $0xe  }
0x1a5: {  	s12 =	spop (v2sf)  }
0x1a6: {  	p1 =	seq.s32 s12, $0xFFFFFFFF  }
.Ltmp21:
0x1a7: {  	_ = 	snop;
	(pc) =	sbr.rel @p1 .LBB2_33-.Ltmp21, $1  }
0x1a8: {  	_ =	sdelay $0x3  }
0x1a9: {  	p1 =	slt.s32 s6, $0x1  }
.Ltmp22:
0x1aa: {  	_ = 	snop;
	(pc) =	sbr.rel @p1 .LBB2_32-.Ltmp22, $1  }
0x1ab: {  	_ =	sdelay $0x3  }
0x1ac: {  	s13 =	simm.s32 $0xF218;
	p1 =	por $0x0, $0x0  }
0x1ad: {  	v1 =	vld.msk @!p1 [tilespmem:s13+$0x0], $0x1;
	_ =	sdelay $0x4  }
0x1ae: {  	(v2sf) =	vpush @!p1 v1, $0x0;
	_ =	sdelay $0xd  }
0x1af: {  	p3 =	sne.s32 s6, $0x1  }
.Ltmp23:
0x1b0: {  	s0 =	spop @!p1 (v2sf);
	(pc) =	sbr.rel @!p3 .LBB2_30-.Ltmp23, $4  }
0x1b1: {  	p2 =	seq.s32 @!p1 s12, s0  }
0x1b2: {  	s14 =	simm.s32 $0x0;
	p2 =	por !p2, p1  }
0x1b3: {  	s2 =	simm.s32 $0xFFFFFFFF;
	s14 =	simm.s32 @p2 $0xFFFFFFFF  }
0x1b4: {  	s0 =	simm.s32 $0x1;
	s14 =	smov.u32 @p1 s2  }
.LBB2_29:
0x1b5: {  	s2 =	smov.u32 s14;
	p1 =	sne.s32 s14, $0xFFFFFFFF  }
0x1b6: {  	s13 =	sadd.s32 $0x1, s13;
	s14 =	smov.u32 s0;
	s0 =	sadd.s32 $0x1, s0  }
0x1b7: {  	p2 =	sne.s32 s6, s0;
	v1 =	vld.msk @!p1 [tilespmem:s13+$0x0], $0x1;
	_ =	sdelay $0x4  }
0x1b8: {  	(v2sf) =	vpush @!p1 v1, $0x0;
	_ =	sdelay $0xe  }
.Ltmp24:
0x1b9: {  	s3 =	spop @!p1 (v2sf);
	(pc) =	sbr.rel @p2 .LBB2_29-.Ltmp24, $4  }
0x1ba: {  	p3 =	seq.s32 @!p1 s12, s3  }
0x1bb: {  	p3 =	por !p3, p1  }
0x1bc: {  	s14 =	simm.s32 @p3 $0xFFFFFFFF  }
0x1bd: {  	s14 =	smov.u32 @p1 s2  }
.LBB2_30:
0x1be: {  	p1 =	seq.s32 s14, $0xFFFFFFFF  }
.Ltmp25:
0x1bf: {  	_ = 	snop;
	(pc) =	sbr.rel @p1 .LBB2_32-.Ltmp25, $1  }
0x1c0: {  	_ =	sdelay $0x3  }
0x1c1: {  	s0 =	sshll.u32 s11, $0x7  }
0x1c2: {  	s2 =	sshll.u32 s14, $0x9;
	s0 =	sand.u32 $0x3FFFFF80, s0  }
0x1c3: {  	s2 =	sshra.s32 s2, $0x2;
	v0 =	vld [tilespmem:s0+$0xF238]  }
0x1c4: {  	v1 =	vld [tilespmem:s2+$0xF238];
	_ =	sdelay $0x4  }
0x1c5: {  	v0 =	vmax.f32 v0, v1  }
0x1c6: {  	v57 =	vld [tilespmem:s2+$0xF248];
	[tilespmem:s2+$0xF238] =	vst v0  }
0x1c7: {  	v0 =	vld [tilespmem:s0+$0xF248];
	_ =	sdelay $0x4  }
0x1c8: {  	v0 =	vmax.f32 v0, v57  }
0x1c9: {  	v58 =	vld [tilespmem:s2+$0xF258];
	[tilespmem:s2+$0xF248] =	vst v0  }
0x1ca: {  	v0 =	vld [tilespmem:s0+$0xF258];
	_ =	sdelay $0x4  }
0x1cb: {  	v0 =	vmax.f32 v0, v58  }
0x1cc: {  	v59 =	vld [tilespmem:s2+$0xF268];
	[tilespmem:s2+$0xF258] =	vst v0  }
0x1cd: {  	v0 =	vld [tilespmem:s0+$0xF268];
	_ =	sdelay $0x4  }
0x1ce: {  	v0 =	vmax.f32 v0, v59  }
0x1cf: {  	v60 =	vld [tilespmem:s2+$0xF278];
	[tilespmem:s2+$0xF268] =	vst v0  }
0x1d0: {  	v0 =	vld [tilespmem:s0+$0xF278];
	_ =	sdelay $0x4  }
0x1d1: {  	v0 =	vmax.f32 v0, v60  }
0x1d2: {  	v61 =	vld [tilespmem:s2+$0xF288];
	[tilespmem:s2+$0xF278] =	vst v0  }
0x1d3: {  	v0 =	vld [tilespmem:s0+$0xF288];
	_ =	sdelay $0x4  }
0x1d4: {  	v0 =	vmax.f32 v0, v61  }
0x1d5: {  	v62 =	vld [tilespmem:s2+$0xF298];
	[tilespmem:s2+$0xF288] =	vst v0  }
0x1d6: {  	v0 =	vld [tilespmem:s0+$0xF298];
	_ =	sdelay $0x4  }
0x1d7: {  	v0 =	vmax.f32 v0, v62  }
0x1d8: {  	v63 =	vld [tilespmem:s2+$0xF2A8];
	[tilespmem:s2+$0xF298] =	vst v0  }
0x1d9: {  	v0 =	vld [tilespmem:s0+$0xF2A8];
	_ =	sdelay $0x1  }
.Ltmp26:
0x1da: {  	_ = 	snop;
	(pc) =	sbr.rel .LBB2_33-.Ltmp26, $3  }
0x1db: {  	_ =	sdelay $0x1  }
0x1dc: {  	v0 =	vmax.f32 v0, v63  }
0x1dd: {  	[tilespmem:s2+$0xF2A8] =	vst v0  }
.LBB2_34:
0x1de: {  	s0 =	simm.s32 $0x6;
	p1 =	seq.s32 s6, $0x0  }
0x1df: {  	[sflag:s0] =	ssyncpa.u1 $0x1;
	v0 =	vimm.s32 @p1 $0xFFFFFFFF  }
0x1e0: {  	s9 =	sadd.s32 $0xFFFFFFFF, s6;
	[tilespmem:$0x10238] =	vst @p1 v0  }
0x1e1: {  	v0 =	vld.msk @!p1 [tilespmem:s9+$0xF218], $0x1;
	_ =	sdelay $0x1  }
0x1e2: {  	v1 =	vld.msk @!p1 [tilespmem:$0xF218], $0x1;
	_ =	sdelay $0x2  }
0x1e3: {  	p2 =	seq.s32 @!p1 s9, $0x0;
	v0 =	vbroadcast @!p1 v0, $0x0  }
0x1e4: {  	vm0 =	vmmov @!p1 $0x1;
	p2 =	por !p2, p1  }
0x1e5: {  	v1 =	vnsel @!p1 vm0, $0xFFFFFFFF, v1;
	vm0 =	vcmask @!p1 $0x308;
	v0 =	vpsel !p2, $0xFFFFFFFF, v0  }
0x1e6: {  	p2 =	sne.s32 @!p1 s8, s7;
	v0 =	vsel @!p1 vm0, v1, v0  }
0x1e7: {  	s0 =	simm.s32 @!p1 $0xF238;
	s2 =	simm.s32 @!p1 $0x0;
	p3 =	por !p2, p1;
	[tilespmem:$0x10238] =	vst @!p1 v0  }
0x1e8: {  	[spmem:s2] =	stream.linear.scatter @!p1 [tilespmem:s0], [sflag:$0x1], $0x80, $0x38;
	[tilespmem:$0x1F6F8] =	vst v63  }
0x1e9: {  	s0 =	sshll.u32 @!p3 s9, $0x9  }
0x1ea: {  	s0 =	sshra.s32 @!p3 s0, $0x2  }
0x1eb: {  	s2 =	simm.s32 @!p3 $0x80;
	s0 =	sadd.s32 @!p3 $0xF238, s0  }
0x1ec: {  	[spmem:s2] =	stream.linear.scatter @!p3 [tilespmem:s0], [sflag:$0x1], $0x80, $0x38;
	[tilespmem:$0x1F6F8] =	vst v63  }
0x1ed: {  	s0 =	simm.s32 @!p3 $0x1  }
0x1ee: {  	_ =	swait.ge @!p3 [sflag:s0], $0x100  }
0x1ef: {  	p1 =	por p2, p1;
	[sflag:s0] =	ssyncset.done @!p3 $0x0  }
0x1f0: {  	[sflag:s0] =	ssyncadd.s32 @!p3 $0xFFFFFF00;
	s0 =	simm.s32 @!p1 $0x1  }
0x1f1: {  	_ =	swait.ge @!p1 [sflag:s0], $0x80  }
0x1f2: {  	s29 =	simm.s32 $0x10238;
	[sflag:s0] =	ssyncset.done @!p1 $0x0  }
0x1f3: {  	s30 =	simm.s32 $0x1000;
	s31 =	simm.s32 $0x1;
	[sflag:s0] =	ssyncadd.s32 @!p1 $0xFFFFFF80  }
0x1f4: {  	[spmem:s30] =	stream.linear.scatter [tilespmem:s29], [sflag:$0x1], $0x10, $0x38;
	[tilespmem:$0x1F6F8] =	vst v63  }
0x1f5: {  	_ =	swait.ge [sflag:s31], $0x10  }
0x1f6: {  	[sflag:s31] =	ssyncset.done $0x0  }
0x1f7: {  	p1 =	seq.s32 s15, $0x0;
	s8 =	rddreg [dreg:$0x1];
	[sflag:s31] =	ssyncadd.s32 $0xFFFFFFF0  }
0x1f8: {  	s2 =	sshll.u32 @p1 s8, $0xE;
	s7 =	rddreg [dreg:$0x2]  }
0x1f9: {  	s0 =	sadd.s32 @p1 $0x15C3C, s2;
	s2 =	sshll.u32 @p1 s7, $0x11  }
0x1fa: {  	_ =	sfence.stream.spmem;
	s0 =	sor.u32 @p1 s2, s0  }
0x1fb: {  	[sflag:s0] =	ssyncadd.remote.s32 @p1 $0x1;
	s0 =	simm.s32 @p1 $0x4  }
0x1fc: {  	s3 =	simm.s32 @!p1 $0x3C;
	s2 =	sand.u32 $0xFFFFFFFE, s8;
	_ =	swait.ge @p1 [sflag:s0], $0x22  }
0x1fd: {  	s4 =	simm.s32 @!p1 $0x0;
	s2 =	sadd.s32 @!p1 $0x4, s2;
	[sflag:s0] =	ssyncset.done @p1 $0x0  }
0x1fe: {  	s5 =	simm.s32 @!p1 $0x100;
	[sflag:s0] =	ssyncadd.s32 @p1 $0xFFFFFFDE;
	s0 =	sshll.u32 @!p1 s2, $0x1A  }
0x1ff: {  	s2 =	sshll.u32 @!p1 s2, $0xD;
	s0 =	sor.u32 @!p1 s0, s7;
	_ =	swait.eq @!p1 [sflag:s3], $0x1  }
0x200: {  	s2 =	sor.u32 @!p1 $0x1C04, s2;
	s3 =	simm.s32 @!p1 $0x1C03;
	s0 =	sor.u32 @!p1 $0x80004000, s0  }
0x201: {  	[spmem:s5], [sflag:s2] =	dma.general @!p1 [spmem:s4], [sflag:s3], length:$0x20, [dreg:$0x0], stride_count:$0x0, ici_dest:s0, dma_misc:DstOpCode:WRITE  }
0x202: {  	p2 =	slt.s32 s9, $0x2;
	s4 =	simm.s32 @!p1 $0x200;
	s5 =	simm.s32 @!p1 $0x202  }
0x203: {  	[spmem:s5], [sflag:s2] =	dma.general @!p1 [spmem:s4], [sflag:s3], length:$0x2, [dreg:$0x0], stride_count:$0x0, ici_dest:s0, dma_misc:DstOpCode:WRITE  }
.Ltmp27:
0x204: {  	s0 =	simm.s32 @!p1 $0x3;
	(pc) =	sbr.rel @p2 .LBB2_38-.Ltmp27, $4  }
0x205: {  	s2 =	sshll.u32 @!p1 s8, $0xE;
	_ =	swait.ge @!p1 [sflag:s0], $0x22  }
0x206: {  	s3 =	sshll.u32 @!p1 s7, $0x11;
	s2 =	sadd.s32 @!p1 $0x11C3C, s2;
	[sflag:s0] =	ssyncset.done @!p1 $0x0  }
0x207: {  	[sflag:s0] =	ssyncadd.s32 @!p1 $0xFFFFFFDE;
	s0 =	sor.u32 @!p1 s3, s2  }
0x208: {  	[sflag:s0] =	ssyncadd.remote.s32 @!p1 $0xFFFFFFFF;
	s0 =	simm.s32 $0x0  }
0x209: {  	s0 =	simm.s32 $0xF219  }
0x20a: {  	v0 =	vld.msk [tilespmem:s0+$0x0], $0x1;
	_ =	sdelay $0x4  }
0x20b: {  	(v2sf) =	vpush v0, $0x0;
	_ =	sdelay $0xb  }
0x20c: {  	s31 =	sadd.s32 $0xFFFFFFFE, s6  }
0x20d: {  	s0 =	sadd.s32 $0xFFFFFFFF, s31  }
0x20e: {  	p2 =	sne.s32 s0, $0x0  }
.Ltmp28:
0x20f: {  	s2 =	spop (v2sf);
	(pc) =	sbr.rel @!p2 .LBB2_37-.Ltmp28, $4  }
0x210: {  	s4 =	simm.s32 $0xF2B8;
	s7 =	simm.s32 $0x0;
	p1 =	sgt.u32 s2, $0x1FF0  }
0x211: {  	s5 =	simm.s32 $0x0;
	s6 =	simm.s32 $0xF21A;
	s3 =	sand.u32 @!p1 $0x1FF8, s2  }
0x212: {  	s2 =	sand.u32 @!p1 $0x7, s2;
	s7 =	simm.s32 @!p1 $0x200;
	s3 =	sadd.s32 @!p1 s1, s3  }
0x213: {  	[hbm4b:s3+s2] =	stream.linear.scatter @!p1 [tilespmem:s4], [sflag:$0x5], $0x80, $0x38;
	[tilespmem:$0x1F6F8] =	vst v63  }
.LBB2_36:
0x214: {  	v0 =	vld.msk [tilespmem:s6+$0x0], $0x1;
	s0 =	sadd.s32 $0xFFFFFFFF, s0;
	s5 =	sadd.s32 s5, s7  }
0x215: {  	p1 =	sne.s32 s0, $0x0;
	_ =	sdelay $0x3  }
0x216: {  	(v2sf) =	vpush v0, $0x0;
	_ =	sdelay $0xe  }
.Ltmp29:
0x217: {  	s2 =	spop (v2sf);
	(pc) =	sbr.rel @p1 .LBB2_36-.Ltmp29, $4  }
0x218: {  	s7 =	simm.s32 $0x0;
	p2 =	sgt.u32 s2, $0x1FF0  }
0x219: {  	s4 =	sadd.s32 $0x80, s4;
	s7 =	simm.s32 @!p2 $0x200;
	s3 =	sand.u32 @!p2 $0x1FF8, s2  }
0x21a: {  	s6 =	sadd.s32 $0x1, s6;
	s2 =	sand.u32 @!p2 $0x7, s2;
	s3 =	sadd.s32 @!p2 s1, s3  }
0x21b: {  	[hbm4b:s3+s2] =	stream.linear.scatter @!p2 [tilespmem:s4], [sflag:$0x5], $0x80, $0x38;
	[tilespmem:$0x1F6F8] =	vst v63  }
.LBB2_37:
0x21c: {  	s0 =	sadd.s32 s5, s7  }
0x21d: {  	s0 =	sshrl.u32 s0, $0x2  }
.LBB2_38:
0x21e: {  	s2 =	simm.s32 $0x5  }
0x21f: {  	_ =	swait.ge [sflag:s2], s0  }
0x220: {  	s31 =	ssub.s32 $0x0, s0;
	[sflag:s2] =	ssyncset.done $0x0  }
0x221: {  	[sflag:s2] =	ssyncadd.s32 s31  }
0x222: {  	[sflag:s2] =	ssyncpa.u1 $0x1  }
.LBB2_39:
0x223: {  	s0 =	sor.u32 s15, s16  }
0x224: {  	p1 =	sne.s32 s0, $0x0  }
.Ltmp30:
0x225: {  	_ = 	snop;
	(pc) =	sbr.rel @p1 .LBB2_54-.Ltmp30, $3  }
0x226: {  	_ =	sdelay $0x1  }
0x227: {  	[bflag:$0x0] =	sbarrier.arrive $0xFFFF  }
0x228: {  	_ =	sfence  }
0x229: {  	s0 =	simm.s32 $0x7  }
0x22a: {  	s2 =	simm.s32 $0x1000;
	s3 =	simm.s32 $0xF218;
	[sflag:s0] =	ssyncpa.u1 $0x0  }
0x22b: {  	[tilespmem:s3], [sflag:$0x7] =	stream.linear.gather [spmem:s2], $0x20, $0x38;
	[tilespmem:$0x1F6F8] =	vst v63  }
0x22c: {  	s30 =	simm.s32 $0xF238;
	s2 =	simm.s32 $0x0  }
0x22d: {  	[tilespmem:s30], [sflag:$0x7] =	stream.linear.gather [spmem:s2], $0x1000, $0x38;
	[tilespmem:$0x1F6F8] =	vst v63  }
.Ltmp31:
0x22e: {  	_ = 	snop;
	(pc) =	sbr.rel .LBB2_41-.Ltmp31, $4  }
0x22f: {  	_ =	swait.ge [sflag:s0], $0x1020  }
0x230: {  	[sflag:s0] =	ssyncset.done $0x0  }
0x231: {  	s31 =	simm.s32 $0x8;
	[sflag:s0] =	ssyncadd.s32 $0xFFFFEFE0  }
0x232: {  	s3 =	simm.s32 $0x0;
	[sflag:s31] =	ssyncpa.u1 $0x0  }
.LBB2_47:
0x233: {  	p1 =	slt.u32 s4, $0x1FF1  }
0x234: {  	s0 =	sand.u32 @p1 $0x1FF8, s4  }
0x235: {  	s4 =	sand.u32 @p1 $0x7, s4;
	s5 =	simm.s32 @p1 $0xF188;
	s0 =	sadd.s32 @p1 s1, s0  }
0x236: {  	[tilespmem:s5], [sflag:$0x8] =	stream.linear.gather @p1 [hbm4b:s0+s4], $0x80, $0x38;
	[tilespmem:$0x1F6F8] =	vst v63  }
0x237: {  	s0 =	simm.s32 @p1 $0x8  }
0x238: {  	_ =	swait.ge @p1 [sflag:s0], $0x80  }
0x239: {  	[sflag:s0] =	ssyncset.done @p1 $0x0  }
0x23a: {  	[sflag:s0] =	ssyncadd.s32 @p1 $0xFFFFFF80;
	s0 =	sshll.u32 @p1 s3, $0x9  }
0x23b: {  	s4 =	sshrl.u32 @p1 s0, $0x2;
	v1 =	vld @p1 [tilespmem:$0xF188]  }
0x23c: {  	v2 =	vld @p1 [tilespmem:s4+$0xF238];
	_ =	sdelay $0x4  }
0x23d: {  	v1 =	vmax.f32 @p1 v1, v2  }
0x23e: {  	v2 =	vld @p1 [tilespmem:s4+$0xF248];
	[tilespmem:s4+$0xF238] =	vst @p1 v1  }
0x23f: {  	v1 =	vld @p1 [tilespmem:$0xF198];
	_ =	sdelay $0x4  }
0x240: {  	v1 =	vmax.f32 @p1 v1, v2  }
0x241: {  	v2 =	vld @p1 [tilespmem:s4+$0xF258];
	[tilespmem:s4+$0xF248] =	vst @p1 v1  }
0x242: {  	v1 =	vld @p1 [tilespmem:$0xF1A8];
	_ =	sdelay $0x4  }
0x243: {  	v1 =	vmax.f32 @p1 v1, v2  }
0x244: {  	v2 =	vld @p1 [tilespmem:s4+$0xF268];
	[tilespmem:s4+$0xF258] =	vst @p1 v1  }
0x245: {  	v1 =	vld @p1 [tilespmem:$0xF1B8];
	_ =	sdelay $0x4  }
0x246: {  	v1 =	vmax.f32 @p1 v1, v2  }
0x247: {  	v2 =	vld @p1 [tilespmem:s4+$0xF278];
	[tilespmem:s4+$0xF268] =	vst @p1 v1  }
0x248: {  	v1 =	vld @p1 [tilespmem:$0xF1C8];
	_ =	sdelay $0x4  }
0x249: {  	v1 =	vmax.f32 @p1 v1, v2  }
0x24a: {  	v2 =	vld @p1 [tilespmem:s4+$0xF288];
	[tilespmem:s4+$0xF278] =	vst @p1 v1  }
0x24b: {  	v1 =	vld @p1 [tilespmem:$0xF1D8];
	_ =	sdelay $0x4  }
0x24c: {  	v1 =	vmax.f32 @p1 v1, v2  }
0x24d: {  	v2 =	vld @p1 [tilespmem:s4+$0xF298];
	[tilespmem:s4+$0xF288] =	vst @p1 v1  }
0x24e: {  	v1 =	vld @p1 [tilespmem:$0xF1E8];
	_ =	sdelay $0x4  }
0x24f: {  	v1 =	vmax.f32 @p1 v1, v2  }
0x250: {  	v2 =	vld @p1 [tilespmem:s4+$0xF2A8];
	[tilespmem:s4+$0xF298] =	vst @p1 v1  }
0x251: {  	v1 =	vld @p1 [tilespmem:$0xF1F8];
	_ =	sdelay $0x4  }
0x252: {  	s5 =	sshll.u32 @!p1 s3, $0x9;
	v1 =	vmax.f32 @p1 v1, v2  }
0x253: {  	s5 =	smov.u32 @p1 s0;
	[tilespmem:s4+$0xF2A8] =	vst @p1 v1  }
0x254: {  	s0 =	sshrl.u32 s5, $0x2;
	[tilespmem:s2+$0xF218] =	vst.msk $0x1, v0  }
0x255: {  	v0 =	vld [tilespmem:s0+$0xF238];
	_ =	sdelay $0x2  }
0x256: {  	s31 =	sshll.u32 s2, $0x9  }
0x257: {  	s4 =	sshra.s32 s31, $0x2  }
0x258: {  	[tilespmem:s4+$0xF238] =	vst v0  }
0x259: {  	v0 =	vld [tilespmem:s0+$0xF248];
	_ =	sdelay $0x4  }
0x25a: {  	[tilespmem:s4+$0xF248] =	vst v0  }
0x25b: {  	v0 =	vld [tilespmem:s0+$0xF258];
	_ =	sdelay $0x4  }
0x25c: {  	[tilespmem:s4+$0xF258] =	vst v0  }
0x25d: {  	v0 =	vld [tilespmem:s0+$0xF268];
	_ =	sdelay $0x4  }
0x25e: {  	[tilespmem:s4+$0xF268] =	vst v0  }
0x25f: {  	v0 =	vld [tilespmem:s0+$0xF278];
	_ =	sdelay $0x4  }
0x260: {  	[tilespmem:s4+$0xF278] =	vst v0  }
0x261: {  	v0 =	vld [tilespmem:s0+$0xF288];
	_ =	sdelay $0x4  }
0x262: {  	[tilespmem:s4+$0xF288] =	vst v0  }
0x263: {  	v0 =	vld [tilespmem:s0+$0xF298];
	_ =	sdelay $0x4  }
0x264: {  	[tilespmem:s4+$0xF298] =	vst v0  }
0x265: {  	v0 =	vld [tilespmem:s0+$0xF2A8];
	_ =	sdelay $0x4  }
0x266: {  	s2 =	sadd.s32 $0x1, s2;
	[tilespmem:s4+$0xF2A8] =	vst v0  }
.LBB2_48:
0x267: {  	s3 =	sadd.s32 $0x1, s3  }
0x268: {  	p1 =	sne.s32 s3, $0x20  }
.Ltmp32:
0x269: {  	_ = 	snop;
	(pc) =	sbr.rel @!p1 .LBB2_49-.Ltmp32, $1  }
0x26a: {  	_ =	sdelay $0x3  }
.LBB2_41:
0x26b: {  	v0 =	vld.msk [tilespmem:s3+$0xF218], $0x1;
	_ =	sdelay $0x4  }
0x26c: {  	(v2sf) =	vpush v0, $0x0;
	_ =	sdelay $0xe  }
0x26d: {  	s4 =	spop (v2sf)  }
0x26e: {  	p1 =	seq.s32 s4, $0xFFFFFFFF  }
.Ltmp33:
0x26f: {  	_ = 	snop;
	(pc) =	sbr.rel @p1 .LBB2_48-.Ltmp33, $1  }
0x270: {  	_ =	sdelay $0x3  }
0x271: {  	p1 =	slt.s32 s2, $0x1  }
.Ltmp34:
0x272: {  	_ = 	snop;
	(pc) =	sbr.rel @p1 .LBB2_47-.Ltmp34, $1  }
0x273: {  	_ =	sdelay $0x3  }
0x274: {  	s5 =	simm.s32 $0xF218;
	p1 =	por $0x0, $0x0  }
0x275: {  	v1 =	vld.msk @!p1 [tilespmem:s5+$0x0], $0x1;
	_ =	sdelay $0x4  }
0x276: {  	(v2sf) =	vpush @!p1 v1, $0x0;
	_ =	sdelay $0xd  }
0x277: {  	p3 =	sne.s32 s2, $0x1  }
.Ltmp35:
0x278: {  	s0 =	spop @!p1 (v2sf);
	(pc) =	sbr.rel @!p3 .LBB2_45-.Ltmp35, $4  }
0x279: {  	p2 =	seq.s32 @!p1 s4, s0  }
0x27a: {  	s6 =	simm.s32 $0x0;
	p2 =	por !p2, p1  }
0x27b: {  	s7 =	simm.s32 $0xFFFFFFFF;
	s6 =	simm.s32 @p2 $0xFFFFFFFF  }
0x27c: {  	s0 =	simm.s32 $0x1;
	s6 =	smov.u32 @p1 s7  }
.LBB2_44:
0x27d: {  	s7 =	smov.u32 s6;
	p1 =	sne.s32 s6, $0xFFFFFFFF  }
0x27e: {  	s5 =	sadd.s32 $0x1, s5;
	s6 =	smov.u32 s0;
	s0 =	sadd.s32 $0x1, s0  }
0x27f: {  	p2 =	sne.s32 s2, s0;
	v1 =	vld.msk @!p1 [tilespmem:s5+$0x0], $0x1;
	_ =	sdelay $0x4  }
0x280: {  	(v2sf) =	vpush @!p1 v1, $0x0;
	_ =	sdelay $0xe  }
.Ltmp36:
0x281: {  	s8 =	spop @!p1 (v2sf);
	(pc) =	sbr.rel @p2 .LBB2_44-.Ltmp36, $4  }
0x282: {  	p3 =	seq.s32 @!p1 s4, s8  }
0x283: {  	p3 =	por !p3, p1  }
0x284: {  	s6 =	simm.s32 @p3 $0xFFFFFFFF  }
0x285: {  	s6 =	smov.u32 @p1 s7  }
.LBB2_45:
0x286: {  	p1 =	seq.s32 s6, $0xFFFFFFFF  }
.Ltmp37:
0x287: {  	_ = 	snop;
	(pc) =	sbr.rel @p1 .LBB2_47-.Ltmp37, $1  }
0x288: {  	_ =	sdelay $0x3  }
0x289: {  	s0 =	sshll.u32 s3, $0x7  }
0x28a: {  	s4 =	sshll.u32 s6, $0x9;
	s0 =	sand.u32 $0x3FFFFF80, s0  }
0x28b: {  	s4 =	sshra.s32 s4, $0x2;
	v0 =	vld [tilespmem:s0+$0xF238]  }
0x28c: {  	v1 =	vld [tilespmem:s4+$0xF238];
	_ =	sdelay $0x4  }
0x28d: {  	v0 =	vmax.f32 v0, v1  }
0x28e: {  	v57 =	vld [tilespmem:s4+$0xF248];
	[tilespmem:s4+$0xF238] =	vst v0  }
0x28f: {  	v0 =	vld [tilespmem:s0+$0xF248];
	_ =	sdelay $0x4  }
0x290: {  	v0 =	vmax.f32 v0, v57  }
0x291: {  	v58 =	vld [tilespmem:s4+$0xF258];
	[tilespmem:s4+$0xF248] =	vst v0  }
0x292: {  	v0 =	vld [tilespmem:s0+$0xF258];
	_ =	sdelay $0x4  }
0x293: {  	v0 =	vmax.f32 v0, v58  }
0x294: {  	v59 =	vld [tilespmem:s4+$0xF268];
	[tilespmem:s4+$0xF258] =	vst v0  }
0x295: {  	v0 =	vld [tilespmem:s0+$0xF268];
	_ =	sdelay $0x4  }
0x296: {  	v0 =	vmax.f32 v0, v59  }
0x297: {  	v60 =	vld [tilespmem:s4+$0xF278];
	[tilespmem:s4+$0xF268] =	vst v0  }
0x298: {  	v0 =	vld [tilespmem:s0+$0xF278];
	_ =	sdelay $0x4  }
0x299: {  	v0 =	vmax.f32 v0, v60  }
0x29a: {  	v61 =	vld [tilespmem:s4+$0xF288];
	[tilespmem:s4+$0xF278] =	vst v0  }
0x29b: {  	v0 =	vld [tilespmem:s0+$0xF288];
	_ =	sdelay $0x4  }
0x29c: {  	v0 =	vmax.f32 v0, v61  }
0x29d: {  	v62 =	vld [tilespmem:s4+$0xF298];
	[tilespmem:s4+$0xF288] =	vst v0  }
0x29e: {  	v0 =	vld [tilespmem:s0+$0xF298];
	_ =	sdelay $0x4  }
0x29f: {  	v0 =	vmax.f32 v0, v62  }
0x2a0: {  	v63 =	vld [tilespmem:s4+$0xF2A8];
	[tilespmem:s4+$0xF298] =	vst v0  }
0x2a1: {  	v0 =	vld [tilespmem:s0+$0xF2A8];
	_ =	sdelay $0x1  }
.Ltmp38:
0x2a2: {  	_ = 	snop;
	(pc) =	sbr.rel .LBB2_48-.Ltmp38, $3  }
0x2a3: {  	_ =	sdelay $0x1  }
0x2a4: {  	v0 =	vmax.f32 v0, v63  }
0x2a5: {  	[tilespmem:s4+$0xF2A8] =	vst v0  }
.LBB2_49:
0x2a6: {  	p1 =	slt.s32 s2, $0x1  }
.Ltmp39:
0x2a7: {  	_ = 	snop;
	(pc) =	sbr.rel @p1 .LBB2_53-.Ltmp39, $3  }
0x2a8: {  	_ =	sdelay $0x1  }
0x2a9: {  	s0 =	simm.s32 $0x8  }
0x2aa: {  	s3 =	simm.s32 $0x0;
	[sflag:s0] =	ssyncpa.u1 $0x1  }
0x2ab: {  	s0 =	simm.s32 $0xF218  }
0x2ac: {  	v0 =	vld.msk [tilespmem:s0+$0x0], $0x1;
	_ =	sdelay $0x4  }
0x2ad: {  	(v2sf) =	vpush v0, $0x0;
	_ =	sdelay $0xe  }
0x2ae: {  	s0 =	sadd.s32 $0xFFFFFFFF, s2;
	s5 =	spop (v2sf)  }
0x2af: {  	p2 =	sne.s32 s0, $0x0;
	p1 =	sgt.u32 s5, $0x1FF0  }
.Ltmp40:
0x2b0: {  	s6 =	sand.u32 @!p1 $0x1FF8, s5;
	(pc) =	sbr.rel @!p2 .LBB2_52-.Ltmp40, $4  }
0x2b1: {  	s4 =	simm.s32 $0xF238;
	s5 =	sand.u32 @!p1 $0x7, s5;
	s2 =	sadd.s32 @!p1 s1, s6  }
0x2b2: {  	[hbm4b:s2+s5] =	stream.linear.scatter @!p1 [tilespmem:s4], [sflag:$0x7], $0x80, $0x38;
	[tilespmem:$0x1F6F8] =	vst v63  }
0x2b3: {  	s5 =	simm.s32 $0x0  }
0x2b4: {  	s2 =	simm.s32 $0xF219;
	s5 =	simm.s32 @!p1 $0x200  }
.LBB2_51:
0x2b5: {  	v0 =	vld.msk [tilespmem:s2+$0x0], $0x1;
	s0 =	sadd.s32 $0xFFFFFFFF, s0;
	s3 =	sadd.s32 s3, s5  }
0x2b6: {  	p1 =	sne.s32 s0, $0x0;
	_ =	sdelay $0x3  }
0x2b7: {  	(v2sf) =	vpush v0, $0x0;
	_ =	sdelay $0xe  }
.Ltmp41:
0x2b8: {  	s6 =	spop (v2sf);
	(pc) =	sbr.rel @p1 .LBB2_51-.Ltmp41, $4  }
0x2b9: {  	s5 =	simm.s32 $0x0;
	p2 =	sgt.u32 s6, $0x1FF0  }
0x2ba: {  	s4 =	sadd.s32 $0x80, s4;
	s5 =	simm.s32 @!p2 $0x200;
	s7 =	sand.u32 @!p2 $0x1FF8, s6  }
0x2bb: {  	s2 =	sadd.s32 $0x1, s2;
	s6 =	sand.u32 @!p2 $0x7, s6;
	s7 =	sadd.s32 @!p2 s1, s7  }
0x2bc: {  	[hbm4b:s7+s6] =	stream.linear.scatter @!p2 [tilespmem:s4], [sflag:$0x7], $0x80, $0x38;
	[tilespmem:$0x1F6F8] =	vst v63  }
.LBB2_52:
0x2bd: {  	s0 =	sadd.s32 s3, s5  }
0x2be: {  	s3 =	sshrl.u32 s0, $0x2  }
.LBB2_53:
0x2bf: {  	s0 =	simm.s32 $0x7  }
0x2c0: {  	_ =	swait.ge [sflag:s0], s3  }
0x2c1: {  	s1 =	ssub.s32 $0x0, s3;
	[sflag:s0] =	ssyncset.done $0x0  }
0x2c2: {  	[sflag:s0] =	ssyncadd.s32 s1  }
0x2c3: {  	[sflag:s0] =	ssyncpa.u1 $0x1  }
.LBB2_54:
0x2c4: {  	_ =	sfence;
	s0 =	simm.s32 $0x1  }
0x2c5: {  	[sflag:s0] =	ssyncpa.u1 $0x1  }
0x2c6: {  	_ =	strace $0x9000004D  }
0x2c7: {  	[bflag:$0x2] =	sbarrier.arrive $0xFFFF  }
0x2c8: {  	s0 =	rddreg [dreg:$0x3]  }
0x2c9: {  	s0 =	sadd.s32 @!p0 $0x100000, s0  }
0x2ca: {  	[sflag:s0] =	ssyncadd.tile.s32 @!p0 $0x1;
	_ =	shalt  }
.Lfunc_end2:
_tile_overlayer_lowered:
.L_overlay_start_2:
0x2cb: {  	(tag) =	ssettag $0x2  }
0x2cc: {  	s0 =	rddreg [dreg:$0x0];
	s2 =	stileid.u32  }
0x2cd: {  	s1 =	rddreg [dreg:$0x1];
	p0 =	sne.s32 s2, $0x0  }
0x2ce: {  	s3 =	rddreg [dreg:$0x2];
	[bflag:$0x3] =	sbarrier.arrive $0xFFFF;
	s2 =	simm.s32 @!p0 $0x1C01  }
0x2cf: {  	[timem:s3], [sflag:s2] =	dma.local @!p0 [hbm:s0], s1  }
0x2d0: {  	s0 =	simm.s32 @!p0 $0x1  }
0x2d1: {  	_ =	swait.ge @!p0 [sflag:s0], s1  }
0x2d2: {  	s1 =	ssub.s32 @!p0 $0x0, s1;
	[sflag:s0] =	ssyncset.done @!p0 $0x0  }
0x2d3: {  	[sflag:s0] =	ssyncadd.s32 @!p0 s1  }
0x2d4: {  	[bflag:$0x3] =	sbarrier.arrive $0xFFFF  }
0x2d5: {  	_ =	shalt  }

// kernel: scatter_offload_async_start
scs
__scs_entry_jumppad:
0x0: {  	(pc) =	sbr.rel $0x88, $3  }
0x1: {  	(tag) =	ssettag $0x0;
	lr =	simm.s32 $0x1  }
0x2: {  	[smem:$0x3F74] =	sst lr;
	_ =	strace $0xD0000000  }
0x3: {  	_ = 	snop  }
0x4: {  	_ = 	snop  }
0x5: {  	_ = 	snop  }
0x6: {  	_ = 	snop  }
0x7: {  	_ = 	snop  }
__scs_overlays_trampoline_lowered:
0x8: {  	[smem:$0x3F83] =	sst s0  }
0x9: {  	[smem:$0x3F84] =	sst s1  }
0xa: {  	[smem:$0x3F85] =	sst s2  }
0xb: {  	[smem:$0x3F86] =	sst s3  }
0xc: {  	[smem:$0x3F87] =	sst s4  }
0xd: {  	[smem:$0x3F88] =	sst s5  }
0xe: {  	[smem:$0x3F89] =	sst s6  }
0xf: {  	[smem:$0x3F8A] =	sst s7  }
0x10: {  	[smem:$0x3F8B] =	sst s8  }
0x11: {  	[smem:$0x3F8C] =	sst s9;
	s0 =	simm.s32 @!p0 $0x0  }
0x12: {  	s1 =	sld [smem:$0x3F72];
	s0 =	simm.s32 @p0 $0x1  }
0x13: {  	[smem:$0x3F8D] =	sst s0;
	s0 =	simm.s32 @!p1 $0x0  }
0x14: {  	s2 =	sld [smem:$0x3F71];
	s0 =	simm.s32 @p1 $0x1  }
0x15: {  	[smem:$0x3F8E] =	sst s0;
	s0 =	simm.s32 @!p2 $0x0  }
0x16: {  	s3 =	sld [smem:$0x3FDB];
	s0 =	simm.s32 @p2 $0x1  }
0x17: {  	s4 =	simm.s32 $0x1BF5;
	[smem:$0x3F90] =	sst s0  }
0x18: {  	s0 =	sld [smem:$0x3F73];
	_ =	swait.ge [sflag:s4], $0x0  }
0x19: {  	s7 =	sld [smem:$0x3F74]  }
0x1a: {  	s8 =	sadd.s32 $0xFFFFE003, lr  }
0x1b: {  	s9 =	sadd.s32 $0xFFFFFEF7, lr;
	s5 =	simm.s32 $0xFFFFFFFF;
	p2 =	slt.u32 s8, $0xFFFFF086  }
0x1c: {  	p1 =	slt.u32 s9, $0xF7A;
	s5 =	simm.s32 @!p2 $0x0  }
0x1d: {  	s5 =	simm.s32 @p1 $0x1;
	p0 =	seq.s32 s7, s2  }
0x1e: {  	s7 =	smul.u32 @!p0 $0xF7A, s2;
	p2 =	seq.s32 @!p0 s5, $0x0  }
0x1f: {  	s9 =	smul.u32 $0xF7A, s1;
	s8 =	simm.s32 @!p0 $0x1BF5;
	p2 =	por !p2, p0  }
0x20: {  	[sflag:s8] =	ssyncset.s32 @!p0 $0xFFFFF086;
	s6 =	sadd.s32 @!p0 s3, s7;
	s7 =	simm.s32 @!p0 $0x108  }
0x21: {  	s3 =	sadd.s32 s3, s9;
	s6 =	sadd.s32 @!p0 $0x88, s6;
	s7 =	simm.s32 @p2 $0x1082  }
0x22: {  	[simem:s7], [sflag:s8] =	dma.local @!p0 [hbm:s6], $0xF7A  }
0x23: {  	s9 =	sor.u32 $0xD0000000, s2;
	s6 =	simm.s32 $0x108;
	_ =	swait.ge @!p0 [sflag:s8], $0x0  }
0x24: {  	s3 =	sadd.s32 $0x88, s3;
	s6 =	simm.s32 @!p1 $0x1082;
	[sflag:s4] =	ssyncset.s32 $0xFFFFF086  }
0x25: {  	[simem:s6], [sflag:s4] =	dma.local [hbm:s3], $0xF7A  }
0x26: {  	[smem:$0x3F74] =	sst s1;
	(tag) =	ssettag s2;
	_ =	strace s9  }
0x27: {  	s1 =	sld [smem:$0x3F84]  }
0x28: {  	s2 =	sld [smem:$0x3F85]  }
0x29: {  	s4 =	sld [smem:$0x3F87]  }
0x2a: {  	p0 =	seq.s32 s5, $0x0;
	s5 =	sld [smem:$0x3F88]  }
0x2b: {  	s6 =	sld [smem:$0x3F89]  }
0x2c: {  	s7 =	sld [smem:$0x3F8A]  }
0x2d: {  	s3 =	simm.s32 $0x108;
	s8 =	sld [smem:$0x3F8B]  }
0x2e: {  	s3 =	simm.s32 @!p0 $0x1082;
	s9 =	sld [smem:$0x3F8C]  }
0x2f: {  	lr =	sadd.s32 s0, s3;
	s0 =	sld [smem:$0x3F83]  }
0x30: {  	s3 =	sld [smem:$0x3F86]  }
0x31: {  	[smem:$0x3F8F] =	sst s10  }
0x32: {  	s10 =	sld [smem:$0x3F8D];
	_ =	sdelay $0x3  }
0x33: {  	p0 =	seq.s32 s10, $0x1;
	s10 =	sld [smem:$0x3F8F];
	_ =	sdelay $0x3  }
0x34: {  	[smem:$0x3F8F] =	sst s10  }
0x35: {  	s10 =	sld [smem:$0x3F8E];
	_ =	sdelay $0x3  }
0x36: {  	p1 =	seq.s32 s10, $0x1;
	s10 =	sld [smem:$0x3F8F];
	_ =	sdelay $0x3  }
0x37: {  	[smem:$0x3F8F] =	sst s10  }
0x38: {  	s10 =	sld [smem:$0x3F90]  }
0x39: {  	_ = 	snop;
	(pc) =	sbr.ind lr, $3  }
0x3a: {  	_ = 	snop  }
0x3b: {  	_ = 	snop  }
0x3c: {  	p2 =	seq.s32 s10, $0x1;
	s10 =	sld [smem:$0x3F8F]  }
0x3d: {  	_ =	shalt  }
0x3e: {  	_ =	shalt  }
0x3f: {  	_ =	shalt  }
0x40: {  	_ =	shalt  }
0x41: {  	_ =	shalt  }
0x42: {  	_ =	shalt  }
0x43: {  	_ =	shalt  }
0x44: {  	_ =	shalt  }
0x45: {  	_ =	shalt  }
0x46: {  	_ =	shalt  }
0x47: {  	_ =	shalt  }
0x48: {  	_ =	shalt  }
0x49: {  	_ =	shalt  }
0x4a: {  	_ =	shalt  }
0x4b: {  	_ =	shalt  }
0x4c: {  	_ =	shalt  }
0x4d: {  	_ =	shalt  }
0x4e: {  	_ =	shalt  }
0x4f: {  	_ =	shalt  }
0x50: {  	_ =	shalt  }
0x51: {  	_ =	shalt  }
0x52: {  	_ =	shalt  }
0x53: {  	_ =	shalt  }
0x54: {  	_ =	shalt  }
0x55: {  	_ =	shalt  }
0x56: {  	_ =	shalt  }
0x57: {  	_ =	shalt  }
0x58: {  	_ =	shalt  }
0x59: {  	_ =	shalt  }
0x5a: {  	_ =	shalt  }
0x5b: {  	_ =	shalt  }
0x5c: {  	_ =	shalt  }
0x5d: {  	_ =	shalt  }
0x5e: {  	_ =	shalt  }
0x5f: {  	_ =	shalt  }
0x60: {  	_ =	shalt  }
0x61: {  	_ =	shalt  }
0x62: {  	_ =	shalt  }
0x63: {  	_ =	shalt  }
0x64: {  	_ =	shalt  }
0x65: {  	_ =	shalt  }
0x66: {  	_ =	shalt  }
0x67: {  	_ =	shalt  }
0x68: {  	_ =	shalt  }
0x69: {  	_ =	shalt  }
0x6a: {  	_ =	shalt  }
0x6b: {  	_ =	shalt  }
0x6c: {  	_ =	shalt  }
0x6d: {  	_ =	shalt  }
0x6e: {  	_ =	shalt  }
0x6f: {  	_ =	shalt  }
0x70: {  	_ =	shalt  }
0x71: {  	_ =	shalt  }
0x72: {  	_ =	shalt  }
0x73: {  	_ =	shalt  }
0x74: {  	_ =	shalt  }
0x75: {  	_ =	shalt  }
0x76: {  	_ =	shalt  }
0x77: {  	_ =	shalt  }
0x78: {  	_ =	shalt  }
0x79: {  	_ =	shalt  }
0x7a: {  	_ =	shalt  }
0x7b: {  	_ =	shalt  }
0x7c: {  	_ =	shalt  }
0x7d: {  	_ =	shalt  }
0x7e: {  	_ =	shalt  }
0x7f: {  	_ =	shalt  }
0x80: {  	_ =	shalt  }
0x81: {  	_ =	shalt  }
0x82: {  	_ =	shalt  }
0x83: {  	_ =	shalt  }
0x84: {  	_ =	shalt  }
0x85: {  	_ =	shalt  }
0x86: {  	_ =	shalt  }
0x87: {  	_ =	shalt  }
.Lfunc_end0:
.L_simem_size_0:
called_computation_lowered:
.L_overlay_start_0:
0x88: {  	s2 =	sld [smem:$0x3FD9]  }
0x89: {  	s3 =	sld [smem:$0x3FFE];
	_ =	sdelay $0x1  }
0x8a: {  	s1 =	srdreg.scid  }
0x8b: {  	s0 =	sand.u32 $0x1, s1  }
0x8c: {  	s15 =	sshll.u32 s0, $0xA;
	s2 =	sadd.s32 s3, s2  }
0x8d: {  	s2 =	sadd.s32 s2, s15  }
0x8e: {  	[smem:$0x3F9B] =	sst s2  }
0x8f: {  	_ = 	snop  }
0x90: {  	(tm) =	ssettm $0x1  }
0x91: {  	s16 =	sld [smem:$0x3FFB];
	_ =	sdelay $0x3  }
0x92: {  	_ =	strace s16  }
0x93: {  	s2 =	sld [smem:$0x3FFC];
	_ =	sdelay $0x3  }
0x94: {  	_ =	strace s2  }
0x95: {  	s2 =	sld [smem:$0x3FFD];
	_ =	sdelay $0x3  }
0x96: {  	_ =	strace s2  }
0x97: {  	_ =	strace $0x8FFFFFFF  }
0x98: {  	s17 =	sld [smem:$0x3FDB];
	_ =	sdelay $0x1  }
0x99: {  	s18 =	simm.s32 $_scs_section_size  }
0x9a: {  	s4 =	simm.s32 $_size__tile_overlayer_lowered;
	s5 =	simm.s32 $_tile_overlayer_lowered  }
0x9b: {  	s21 =	simm.s32 $0x1BFF;
	s20 =	sshll.u32 s5, $0x1;
	s2 =	sadd.s32 s18, s17  }
0x9c: {  	s6 =	simm.s32 $0x0;
	s19 =	sshll.u32 s4, $0x1;
	s4 =	sadd.s32 s20, s2  }
0x9d: {  	[timem:s6], [sflag:s21] =	dma.local [hbm:s4], s19  }
0x9e: {  	_ =	swait.ge [sflag:s21], s19  }
0x9f: {  	s3 =	ssub.s32 $0x0, s19;
	[sflag:s21] =	ssyncset.done $0x0  }
0xa0: {  	[sflag:s21] =	ssyncadd.s32 s3;
	_ =	sdelay $0x1  }
0xa1: {  	s22 =	simm.s32 $0x1B8B  }
0xa2: {  	_ =	swait.ge [sflag:s22], $0x1  }
0xa3: {  	[sflag:s22] =	ssyncset.done $0x0  }
0xa4: {  	s23 =	sld [smem:$0x3FFE];
	[sflag:s22] =	ssyncadd.s32 $0xFFFFFFFF  }
0xa5: {  	s25 =	simm.s32 $0x1B8E;
	s24 =	sld [smem:$0x0]  }
0xa6: {  	s26 =	simm.s32 $execute0_lowered;
	[smem:$0x3FD2] =	sst s25  }
0xa7: {  	s5 =	sshll.u32 s26, $0x1;
	_ =	strace $0x80000049;
	[dreg:$0x1] =	wrdreg $0xFFFFFFFF  }
0xa8: {  	s28 =	simm.s32 $_size_execute0_lowered;
	s2 =	sadd.s32 s2, s5;
	[dreg:$0x0] =	wrdreg $0x0  }
0xa9: {  	s5 =	sshll.u32 s28, $0x1;
	[dreg:$0x2] =	wrdreg s2  }
0xaa: {  	[dreg:$0x3] =	wrdreg s5  }
0xab: {  	[dreg:$0x4] =	wrdreg $0xC0  }
0xac: {  	_ =	task [dreg:s6], $0x5FFFF  }
0xad: {  	[dreg:$0x1] =	wrdreg $0xFFFFFFFF  }
0xae: {  	[dreg:$0x0] =	wrdreg $0x60  }
0xaf: {  	[dreg:$0x2] =	wrdreg s23  }
0xb0: {  	[dreg:$0x3] =	wrdreg s1  }
0xb1: {  	[dreg:$0x4] =	wrdreg s24  }
0xb2: {  	[dreg:$0x5] =	wrdreg $0x9  }
0xb3: {  	_ =	task.clear_ibuf [dreg:s6], $0x6FFFF;
	_ =	strace $0x90000049  }
0xb4: {  	s29 =	simm.s32 $0x9;
	_ =	strace $0x8000004B  }
0xb5: {  	_ =	swait.ge [sflag:s29], $0x1  }
0xb6: {  	[sflag:s29] =	ssyncadd.s32 $0xFFFFFFFF  }
0xb7: {  	_ =	strace $0x9000004B  }
0xb8: {  	_ =	sfence  }
0xb9: {  	s30 =	sld [smem:$0x0];
	_ =	sdelay $0x2  }
0xba: {  	s31 =	sshll.u32 s1, $0xD;
	s1 =	sshrl.u32 s1, $0x2  }
0xbb: {  	s3 =	sand.u32 $0x4000, s31;
	s1 =	sadd.s32 s1, s30  }
0xbc: {  	s0 =	sor.u32 s3, s0;
	s1 =	sshll.u32 s1, $0x11  }
0xbd: {  	s0 =	sor.u32 s1, s0  }
0xbe: {  	s0 =	sadd.s32 $0x8F2B, s0  }
0xbf: {  	[sflag:s0] =	ssyncadd.remote.s32 $0x1  }
0xc0: {  	_ =	sfence.sel $0xFFFF  }
0xc1: {  	[dreg:$0x0] =	wrdreg $0xFFFFFFFF;
	(pc) =	sbr.abs _section_cstart, $3  }
0xc2: {  	[dreg:$0x1] =	wrdreg $0xFFFFFFFF  }
0xc3: {  	_ =	task.clear_ibuf [dreg:s6], $0x2FFFF;
	_ =	strace $0x9FFFFFFF  }
0xc4: {  	(tm) =	ssettm $0x7FFFFFFF  }
0xc5: {  	_ =	shalt  }
tec
execute0_lowered:
.L_overlay_start_1:
0x0: {  	(tag) =	ssettag $0x1  }
0x1: {  	s2 =	rddreg [dreg:$0x0]  }
0x2: {  	s3 =	rddreg [dreg:$0x1];
	_ =	strace $0x8000004A;
	s0 =	simm.s32 $0x1  }
0x3: {  	s4 =	simm.s32 $0x88;
	v0 =	vimm.s32 $0x0;
	[sflag:s0] =	ssyncpa.u1 $0x0  }
0x4: {  	s1 =	sadd.s32 $0x10000, s2;
	s0 =	sadd.s32 $0x50400, s2;
	[tilespmem:s4+$0x30] =	vst v0  }
0x5: {  	s6 =	sadd.s32 $0x660400, s2;
	s3 =	sand.u32 $0x1, s3;
	s14 =	sadd.s32 $0x58400, s2;
	[tilespmem:s4+$0x20] =	vst v0  }
0x6: {  	s2 =	simm.s32 $0x40;
	[dreg:$0x4] =	wrdreg s3;
	s15 =	sshll.u32 s3, $0xE;
	[tilespmem:s4+$0x10] =	vst v0  }
.LBB2_1:
0x7: {  	s2 =	sadd.s32 $0x40, s2  }
0x8: {  	[tilespmem:s4+$0x0] =	vst v0;
	s4 =	sadd.s32 $0x40, s4;
	p0 =	slt.u32 s2, $0x5040  }
.Ltmp0:
0x9: {  	(pc) =	sbr.rel @p0 .LBB2_1-.Ltmp0, $4  }
0xa: {  	_ = 	snop  }
0xb: {  	[tilespmem:s4+$0x30] =	vst v0  }
0xc: {  	[tilespmem:s4+$0x20] =	vst v0  }
0xd: {  	[tilespmem:s4+$0x10] =	vst v0  }
0xe: {  	s9 =	stileid.u32  }
0xf: {  	s2 =	smul.u32 $0x19, s9  }
0x10: {  	s3 =	smin.u32 s9, $0xA  }
0x11: {  	s2 =	sadd.s32 s3, s2  }
0x12: {  	p0 =	slt.u32 s9, $0xA;
	s7 =	smul.u32 $0x140, s2;
	s2 =	simm.s32 $0x2080  }
0x13: {  	s2 =	simm.s32 @!p0 $0x1F40  }
0x14: {  	s2 =	sadd.s32 s2, s7  }
0x15: {  	s8 =	smin.u32 s2, $0x20000  }
0x16: {  	s2 =	ssub.s32 s8, s7  }
0x17: {  	p0 =	sgt.s32 s2, $0x0  }
0x18: {  	s28 =	simm.s32 $0x2;
	s30 =	simm.s32 $0x9;
	s2 =	simm.s32 @!p0 $0x0  }
0x19: {  	s31 =	simm.s32 $0xA;
	s11 =	simm.s32 $0xB;
	s29 =	smulhi.u32 $0x66666667, s2  }
0x1a: {  	s12 =	simm.s32 $0x1;
	s14 =	sadd.s32 s15, s14;
	s15 =	sadd.s32 s15, s0  }
0x1b: {  	s18 =	simm.s32 $0x0;
	p1 =	por $0x0, $0x0;
	s3 =	sshrl.u32 s29, $0x7  }
0x1c: {  	s19 =	simm.s32 $0xC;
	s23 =	simm.s32 $0x0;
	s5 =	smul.u32 $0x140, s3  }
.Ltmp1:
0x1d: {  	[tilespmem:s4+$0x0] =	vst v0;
	v0 =	vimm.s32 $0xFFFFFFFF;
	s20 =	simm.s32 $0x0;
	[sflag:s28] =	ssyncpa.u1 $0x0;
	(pc) =	sbr.rel .LBB2_3-.Ltmp1, $4  }
0x1e: {  	[tilespmem:$0xA108] =	vst v0;
	[sflag:s30] =	ssyncpa.u1 $0x0;
	p0 =	sne.s32 s2, s5;
	s2 =	simm.s32 $0x1  }
0x1f: {  	s22 =	simm.s32 $0x0;
	[sflag:s31] =	ssyncpa.u1 $0x0;
	s2 =	simm.s32 @!p0 $0x0  }
0x20: {  	s16 =	sshll.u32 s9, $0x7;
	[sflag:s11] =	ssyncpa.u1 $0x0;
	s13 =	sadd.s32 s2, s3  }
0x21: {  	v0 =	vlaneseq.u32;
	s21 =	smov.u32 s7;
	p0 =	por $0x1, $0x1;
	s17 =	sadd.s32 $0x1, s13  }
.LBB2_24:
0x22: {  	s0 =	sshrl.u32 s0, $0x2  }
.LBB2_26:
0x23: {  	_ =	swait.ge [sflag:s19], s0  }
0x24: {  	s30 =	ssub.s32 $0x0, s0;
	v1 =	vmov s25;
	vm0 =	veq.s32 v0, $0x0;
	[sflag:s19] =	ssyncset.done $0x0  }
0x25: {  	vm15 =	veq.s32 v0, $0x2;
	v1 =	vsel vm0, s31, v1;
	[sflag:s19] =	ssyncadd.s32 s30  }
0x26: {  	v1 =	vsel vm15, s23, v1;
	[sflag:s19] =	ssyncpa.u1 $0x1  }
0x27: {  	[tilespmem:$0xA108] =	vst v1  }
.LBB2_27:
0x28: {  	s0 =	sadd.s32 $0x140, s21  }
0x29: {  	s2 =	smov.u32 s7;
	p2 =	slt.s32 s0, s8  }
0x2a: {  	s2 =	smov.u32 @p2 s0;
	p2 =	sne.s32 s22, s17  }
.Ltmp2:
0x2b: {  	_ = 	snop;
	(pc) =	sbr.rel @!p2 .LBB2_28-.Ltmp2, $4  }
0x2c: {  	_ = 	snop  }
0x2d: {  	s23 =	smov.u32 s20  }
0x2e: {  	s31 =	sadd.s32 $0x1, s22;
	s20 =	smov.u32 s21;
	p0 =	por !p0, !p0  }
0x2f: {  	p1 =	por !p1, !p1;
	s22 =	smov.u32 s31;
	s21 =	smov.u32 s2  }
.LBB2_3:
0x30: {  	p2 =	sge.u32 s22, s13  }
0x31: {  	s0 =	smulhi.u32 @!p2 $0xAAAAAAAB, s22  }
0x32: {  	s2 =	smov.u32 s21;
	p3 =	sgt.s32 @!p2 s21, $0x1FEC0  }
0x33: {  	s3 =	sshra.s32 @!p2 s21, $0x1F;
	p3 =	por !p3, p2;
	s0 =	sshrl.u32 @!p2 s0, $0x1  }
0x34: {  	s3 =	sand.u32 @!p2 s3, s21;
	s2 =	simm.s32 @p3 $0x1FEC0;
	s0 =	smul.u32 @!p2 $0x3, s0  }
0x35: {  	s2 =	ssub.s32 @!p2 s2, s3  }
0x36: {  	s2 =	sadd.s32 @!p2 $0xFFFE0140, s2;
	s0 =	ssub.s32 @!p2 s22, s0  }
0x37: {  	s3 =	sshll.u32 @!p2 s2, $0x2;
	p3 =	sgt.s32 @!p2 s2, $0x13F;
	s0 =	smul.u32 @!p2 $0x500, s0  }
0x38: {  	s4 =	sand.u32 @!p2 $0x7, s21;
	s2 =	ssub.s32 @!p2 $0x500, s3;
	p3 =	por !p3, p2  }
0x39: {  	s3 =	sshrl.u32 @!p2 s21, $0x3;
	s2 =	sshrl.u32 @!p2 s2, $0x2;
	s0 =	sshrl.u32 @!p2 s0, $0x2  }
0x3a: {  	s3 =	sadd.s32 @!p2 s3, s14;
	s2 =	simm.s32 @!p3 $0x0;
	s0 =	sadd.s32 @!p2 $0xA948, s0  }
0x3b: {  	[tilespmem:s0], [sflag:$0xA] =	stream.linear.gather @!p2 [hbm4b:s3+s4], s2, $0x38;
	[tilespmem:$0x1EF88] =	vst v63  }
0x3c: {  	s4 =	sadd.s32 $0xFFFFFFFF, s22  }
0x3d: {  	p2 =	sge.u32 s4, s13  }
0x3e: {  	p3 =	sgt.s32 @!p2 s20, $0x1FEC0  }
0x3f: {  	s0 =	smov.u32 s20;
	s2 =	sshra.s32 @!p2 s20, $0x1F;
	p3 =	por !p3, p2  }
0x40: {  	s2 =	sand.u32 @!p2 s2, s20;
	s0 =	simm.s32 @p3 $0x1FEC0  }
0x41: {  	s0 =	ssub.s32 @!p2 s0, s2  }
0x42: {  	s0 =	sadd.s32 @!p2 $0xFFFE0140, s0  }
0x43: {  	s2 =	sshll.u32 @!p2 s0, $0x2  }
0x44: {  	p3 =	sgt.s32 @!p2 s0, $0x13F;
	s0 =	ssub.s32 @!p2 $0x500, s2  }
0x45: {  	p3 =	por !p3, p2;
	s0 =	sshrl.u32 @!p2 s0, $0x2  }
0x46: {  	s3 =	simm.s32 @!p2 $0xA;
	s2 =	sand.u32 @!p2 $0x1, s4;
	s0 =	simm.s32 @!p3 $0x0  }
0x47: {  	s2 =	smul.u32 @!p2 $0x500, s2;
	_ =	swait.ge @!p2 [sflag:s3], s0  }
0x48: {  	s5 =	ssub.s32 @!p2 $0x0, s0;
	[sflag:s3] =	ssyncset.done @!p2 $0x0  }
0x49: {  	s2 =	sshrl.u32 @!p2 s2, $0x2;
	[sflag:s3] =	ssyncadd.s32 @!p2 s5;
	s3 =	sshrl.u32 @!p2 s20, $0x3  }
0x4a: {  	s2 =	sadd.s32 @!p2 $0xAD08, s2;
	s5 =	sand.u32 @!p2 $0x7, s20;
	s3 =	sadd.s32 @!p2 s3, s15  }
0x4b: {  	[tilespmem:s2], [sflag:$0xB] =	stream.linear.gather @!p2 [hbm4b:s3+s5], s0, $0x38;
	[tilespmem:$0x1EF88] =	vst v63  }
0x4c: {  	s0 =	ssub.s32 @!p2 $0x20000, s20  }
0x4d: {  	p3 =	slt.s32 @!p2 s0, $0x1  }
0x4e: {  	p3 =	por p2, p3  }
.Ltmp3:
0x4f: {  	_ = 	snop;
	(pc) =	sbr.rel @p3 .LBB2_9-.Ltmp3, $1  }
0x50: {  	_ =	sdelay $0x3  }
0x51: {  	s2 =	smulhi.u32 $0xAAAAAAAB, s4;
	_ =	sdelay $0x1  }
0x52: {  	s2 =	sshrl.u32 s2, $0x1  }
0x53: {  	s2 =	smul.u32 $0x3, s2;
	_ =	sdelay $0x1  }
0x54: {  	s2 =	ssub.s32 s4, s2  }
0x55: {  	s3 =	simm.s32 $0x1;
	s2 =	smul.u32 $0x500, s2  }
.Ltmp4:
0x56: {  	s3 =	simm.s32 @!p0 $0x0;
	(pc) =	sbr.rel .LBB2_6-.Ltmp4, $4  }
0x57: {  	s3 =	smul.u32 $0x28000, s3  }
0x58: {  	p3 =	slt.s32 @!p2 s0, $0x140;
	s2 =	sshrl.u32 s2, $0x2  }
0x59: {  	p2 =	por !p3, p2;
	s3 =	sshrl.u32 s3, $0x2;
	s2 =	sadd.s32 $0xA948, s2  }
0x5a: {  	s24 =	simm.s32 $0x0;
	s0 =	simm.s32 @p2 $0x140;
	s4 =	sadd.s32 $0xAF88, s3;
	v1 =	vmov s2  }
.LBB2_5:
0x5b: {  	p2 =	sge.s32 s24, s0  }
.Ltmp5:
0x5c: {  	_ = 	snop;
	(pc) =	sbr.rel @p2 .LBB2_9-.Ltmp5, $2  }
0x5d: {  	_ =	sdelay $0x2  }
0x5e: {  	s4 =	sadd.s32 $0x800, s4  }
.LBB2_6:
0x5f: {  	p2 =	sle.s32 s0, s24  }
.Ltmp6:
0x60: {  	_ = 	snop;
	(pc) =	sbr.rel @p2 .LBB2_5-.Ltmp6, $2  }
0x61: {  	_ =	sdelay $0x2  }
0x62: {  	s5 =	smov.u32 s24;
	s24 =	sadd.s32 $0x10, s24  }
0x63: {  	s2 =	ssub.s32 s0, s5  }
0x64: {  	p2 =	slt.s32 s2, $0x10  }
0x65: {  	s2 =	simm.s32 @!p2 $0x10  }
0x66: {  	v2 =	vmov s2  }
0x67: {  	vm0 =	vgt.s32 v2, v0;
	_ =	sdelay $0x5  }
0x68: {  	v2 =	vld.idx.msk [tilespmem:v1+s5+$0x0 ss:$0x1], vm0;
	_ =	sdelay $0x2  }
0x69: {  	p2 =	slt.s32 s24, s0;
	s2 =	smov.u32 s0  }
0x6a: {  	s3 =	smov.u32 s4;
	s25 =	simm.s32 $0x0;
	s2 =	smov.u32 @p2 s24  }
.LBB2_8:
0x6b: {  	(v2sf) =	vpush v2, s25;
	_ =	sdelay $0xc  }
0x6c: {  	s25 =	sadd.s32 $0x1, s25  }
0x6d: {  	s31 =	sadd.s32 s25, s5  }
0x6e: {  	p2 =	slt.s32 s31, s2;
	s9 =	spop (v2sf)  }
.Ltmp7:
0x6f: {  	s9 =	sshll.u32 s9, $0x4;
	(pc) =	sbr.rel @p2 .LBB2_8-.Ltmp7, $4  }
0x70: {  	s9 =	sand.u32 $0x1FFFFFF0, s9  }
0x71: {  	s9 =	sadd.s32 s6, s9  }
0x72: {  	[tilespmem:s3], [sflag:$0x9] =	stream.linear.gather [hbm4b:s9+s18], $0x40, $0x38;
	[tilespmem:$0x1EF88] =	vst v63  }
0x73: {  	s3 =	sadd.s32 $0x80, s3  }
.Ltmp8:
0x74: {  	_ = 	snop;
	(pc) =	sbr.rel .LBB2_5-.Ltmp8, $1  }
0x75: {  	_ =	sdelay $0x3  }
.LBB2_9:
0x76: {  	p2 =	slt.u32 s22, $0x2  }
.Ltmp9:
0x77: {  	_ = 	snop;
	(pc) =	sbr.rel @p2 .LBB2_27-.Ltmp9, $1  }
0x78: {  	_ =	sdelay $0x3  }
0x79: {  	p2 =	sgt.s32 s23, $0x1FEC0  }
0x7a: {  	s0 =	smov.u32 s23;
	s2 =	sshra.s32 s23, $0x1F;
	s3 =	ssub.s32 $0x20000, s23  }
0x7b: {  	s0 =	simm.s32 @!p2 $0x1FEC0;
	s2 =	sand.u32 s2, s23;
	p2 =	slt.s32 s3, $0x140  }
0x7c: {  	s0 =	ssub.s32 s0, s2;
	s3 =	simm.s32 @!p2 $0x140  }
0x7d: {  	s0 =	sadd.s32 $0xFFFE0140, s0;
	s10 =	sshll.u32 s3, $0x6  }
0x7e: {  	s26 =	simm.s32 $0x9;
	s24 =	sshll.u32 s0, $0x2;
	s2 =	sand.u32 $0x3FFFFFC0, s10  }
0x7f: {  	p2 =	sgt.s32 s0, $0x13F;
	s25 =	ssub.s32 $0x500, s24;
	_ =	swait.ge [sflag:s26], s2  }
0x80: {  	s2 =	ssub.s32 $0x0, s2;
	[sflag:s26] =	ssyncset.done $0x0;
	s0 =	sshrl.u32 s25, $0x2  }
0x81: {  	[sflag:s26] =	ssyncadd.s32 s2;
	s0 =	simm.s32 @p2 $0x0  }
0x82: {  	_ =	swait.ge [sflag:s11], s0  }
0x83: {  	s0 =	ssub.s32 $0x0, s0;
	[sflag:s11] =	ssyncset.done $0x0  }
0x84: {  	[sflag:s11] =	ssyncadd.s32 s0  }
0x85: {  	v1 =	vld [tilespmem:$0xA108];
	_ =	sdelay $0x4  }
0x86: {  	(v2sf) =	vpush v1, $0x0  }
0x87: {  	(v2sf) =	vpush v1, $0x1  }
0x88: {  	(v2sf) =	vpush v1, $0x2;
	_ =	sdelay $0x3  }
0x89: {  	s0 =	sadd.s32 $0x140, s23  }
0x8a: {  	s2 =	ssub.s32 $0x40000, s23;
	p2 =	slt.s32 s8, s0  }
0x8b: {  	s0 =	smov.u32 @p2 s8;
	p2 =	sgt.s32 s2, $0x0  }
0x8c: {  	s0 =	ssub.s32 s0, s23;
	s2 =	simm.s32 @!p2 $0x0  }
0x8d: {  	p2 =	slt.s32 s2, s0  }
0x8e: {  	s0 =	smov.u32 @p2 s2  }
0x8f: {  	s26 =	simm.s32 $0x1;
	p2 =	slt.s32 s0, $0x1  }
.Ltmp10:
0x90: {  	s26 =	simm.s32 @!p1 $0x0;
	(pc) =	sbr.rel @p2 .LBB2_14-.Ltmp10, $4  }
0x91: {  	s30 =	smul.u32 $0x500, s26  }
0x92: {  	s28 =	spop (v2sf)  }
0x93: {  	s31 =	sshrl.u32 s30, $0x2;
	s29 =	spop (v2sf)  }
0x94: {  	s24 =	sadd.s32 $0xAD08, s31;
	s23 =	spop (v2sf)  }
0x95: {  	s2 =	smin.u32 s0, $0x10  }
0x96: {  	v1 =	vmov s2  }
0x97: {  	p3 =	sgt.s32 s0, $0x10;
	vm1 =	vgt.u32 v1, v0  }
.Ltmp11:
0x98: {  	_ = 	snop;
	(pc) =	sbr.rel @!p3 .LBB2_13-.Ltmp11, $2  }
0x99: {  	_ =	sdelay $0x2  }
0x9a: {  	s5 =	simm.s32 $0x10;
	s25 =	sadd.s32 $0xFFFFFFF0, s0;
	s4 =	smov.u32 s24;
	vm0 =	vmmov vm1  }
.LBB2_12:
0x9b: {  	s2 =	smin.u32 s25, $0x10;
	s5 =	sadd.s32 $0x10, s5;
	v1 =	vld.msk [tilespmem:s4+$0x0 ss:$0x1], vm1  }
0x9c: {  	v2 =	vmov s2;
	p3 =	slt.s32 s5, s0  }
0x9d: {  	vm1 =	vgt.u32 v2, v0  }
.Ltmp12:
0x9e: {  	(pc) =	sbr.rel @p3 .LBB2_12-.Ltmp12, $3  }
0x9f: {  	_ =	sdelay $0x1  }
0xa0: {  	v1 =	vshll.u32 v1, $0x4  }
0xa1: {  	s25 =	sadd.s32 $0xFFFFFFF0, s25;
	[tilespmem:s4+$0x0] =	vst.msk vm0, v1;
	s4 =	sadd.s32 $0x10, s4;
	vm0 =	vmmov vm1  }
.LBB2_13:
0xa2: {  	_ =	sdelay $0x4  }
0xa3: {  	v1 =	vld.msk [tilespmem:s4+$0x0 ss:$0x1], vm1;
	_ =	sdelay $0x4  }
0xa4: {  	v1 =	vshll.u32 v1, $0x4  }
0xa5: {  	[tilespmem:s4+$0x0] =	vst.msk vm0, v1  }
.LBB2_14:
0xa6: {  	s2 =	sand.u32 $0x1, s22  }
0xa7: {  	s3 =	smul.u32 $0xA000, s2  }
0xa8: {  	p3 =	sne.s32 s29, $0xFFFFFFFF;
	s2 =	smul.u32 $0x140, s2  }
0xa9: {  	v1 =	vld @!p3 [tilespmem:s3+$0xAF88]  }
0xaa: {  	v2 =	vld.msk @!p3 [tilespmem:s2+$0xAD08], $0x1;
	_ =	sdelay $0x3  }
0xab: {  	[tilespmem:$0x88] =	vst @!p3 v1  }
0xac: {  	(v2sf) =	vpush @!p3 v2, $0x0;
	v1 =	vld @!p3 [tilespmem:s3+$0xAF98];
	_ =	sdelay $0x4  }
0xad: {  	[tilespmem:$0x98] =	vst @!p3 v1  }
0xae: {  	v1 =	vld @!p3 [tilespmem:s3+$0xAFA8];
	_ =	sdelay $0x4  }
0xaf: {  	[tilespmem:$0xA8] =	vst @!p3 v1  }
0xb0: {  	v1 =	vld @!p3 [tilespmem:s3+$0xAFB8]  }
.Ltmp13:
0xb1: {  	_ = 	snop;
	(pc) =	sbr.rel @p2 .LBB2_25-.Ltmp13, $4  }
0xb2: {  	_ = 	snop  }
0xb3: {  	s30 =	spop @!p3 (v2sf)  }
0xb4: {  	s23 =	simm.s32 @!p3 $0x0;
	s25 =	smov.u32 s30  }
0xb5: {  	s30 =	smov.u32 @p3 s28;
	s25 =	smov.u32 @p3 s29;
	[tilespmem:$0xB8] =	vst @!p3 v1;
	[sflag:s19] =	ssyncpa.u1 $0x0  }
0xb6: {  	v1 =	vld.msk [tilespmem:s24+$0x0], $0x1;
	_ =	sdelay $0x4  }
0xb7: {  	(v2sf) =	vpush v1, $0x0;
	_ =	sdelay $0xe  }
0xb8: {  	s2 =	smul.u32 $0x28000, s26;
	s4 =	spop (v2sf)  }
0xb9: {  	s28 =	ssub.s32 $0x0, s0;
	p2 =	seq.s32 s30, s4  }
0xba: {  	s0 =	sadd.s32 $0x1, s28;
	s2 =	sshrl.u32 s2, $0x2;
	p3 =	sgt.s32 @!p2 s30, $0x0  }
0xbb: {  	s26 =	sadd.s32 $0xAFA8, s2;
	s2 =	smov.u32 s30;
	p3 =	por !p3, p2  }
0xbc: {  	s2 =	simm.s32 @p3 $0x0;
	p3 =	seq.s32 s0, $0x0  }
.Ltmp14:
0xbd: {  	_ = 	snop;
	(pc) =	sbr.rel @p3 .LBB2_17-.Ltmp14, $4  }
0xbe: {  	_ = 	snop  }
0xbf: {  	s29 =	simm.s32 $0x0;
	s5 =	simm.s32 @!p2 $0x1;
	s3 =	smin.u32 @!p2 s2, $0xFFF8  }
0xc0: {  	s31 =	sadd.s32 $0x1, s24;
	s5 =	smov.u32 @p2 s29;
	s9 =	sand.u32 @!p2 $0xFFF8, s3  }
0xc1: {  	s2 =	simm.s32 @!p2 $0x50C8;
	s3 =	sand.u32 @!p2 $0x7, s3;
	s9 =	sadd.s32 @!p2 s1, s9  }
.LBB2_16:
0xc2: {  	s10 =	smov.u32 s5  }
0xc3: {  	[tilespmem:s2], [sflag:$0x2] =	stream.linear.gather @!p2 [hbm4b:s9+s3], $0x40, $0x38;
	[tilespmem:$0x1EF88] =	vst v63  }
0xc4: {  	s0 =	sadd.s32 $0x1, s0;
	s3 =	smov.u32 s4;
	v1 =	vld.msk [tilespmem:s31+$0x0], $0x1  }
0xc5: {  	p3 =	seq.s32 s0, $0x0;
	_ =	sdelay $0x3  }
0xc6: {  	(v2sf) =	vpush v1, $0x0;
	_ =	sdelay $0xe  }
0xc7: {  	s4 =	spop (v2sf)  }
0xc8: {  	p2 =	seq.s32 s3, s4  }
0xc9: {  	p4 =	sgt.s32 @!p2 s3, $0x0;
	s2 =	sshll.u32 @!p2 s5, $0x8;
	s5 =	sadd.s32 @!p2 $0x1, s5  }
.Ltmp15:
0xca: {  	p4 =	por !p4, p2;
	s2 =	sshra.s32 @!p2 s2, $0x2;
	(pc) =	sbr.rel @!p3 .LBB2_16-.Ltmp15, $4  }
0xcb: {  	s5 =	smov.u32 @p2 s10;
	s3 =	simm.s32 @p4 $0x0;
	s2 =	sadd.s32 @!p2 $0x50C8, s2  }
0xcc: {  	s3 =	smin.u32 @!p2 s3, $0xFFF8  }
0xcd: {  	s9 =	sand.u32 @!p2 $0xFFF8, s3;
	s3 =	sand.u32 @!p2 $0x7, s3  }
0xce: {  	s31 =	sadd.s32 $0x1, s31;
	s9 =	sadd.s32 @!p2 s1, s9  }
.LBB2_17:
0xcf: {  	[tilespmem:s2], [sflag:$0x2] =	stream.linear.gather @!p2 [hbm4b:s9+s3], $0x40, $0x38;
	[tilespmem:$0x1EF88] =	vst v63  }
.Ltmp16:
0xd0: {  	s0 =	sshll.u32 s5, $0x6;
	(pc) =	sbr.rel .LBB2_18-.Ltmp16, $4  }
0xd1: {  	s31 =	simm.s32 $0x2;
	s0 =	sand.u32 $0x3FFFFFC0, s0  }
0xd2: {  	_ =	swait.ge [sflag:s31], s0  }
0xd3: {  	s0 =	ssub.s32 $0x0, s0;
	[sflag:s31] =	ssyncset.done $0x0  }
0xd4: {  	[sflag:s31] =	ssyncadd.s32 s0;
	s0 =	simm.s32 $0x0  }
.LBB2_19:
0xd5: {  	v1 =	vld [tilespmem:s26+$0xFFFFFFE0]  }
0xd6: {  	v2 =	vld [tilespmem:s4+$0x88];
	_ =	sdelay $0x4  }
0xd7: {  	v1 =	vmax.f32 v1, v2  }
0xd8: {  	v2 =	vld [tilespmem:s4+$0x98];
	[tilespmem:s4+$0x88] =	vst v1  }
0xd9: {  	v1 =	vld [tilespmem:s26+$0xFFFFFFF0];
	_ =	sdelay $0x4  }
0xda: {  	v1 =	vmax.f32 v1, v2  }
0xdb: {  	v2 =	vld [tilespmem:s4+$0xA8];
	[tilespmem:s4+$0x98] =	vst v1  }
0xdc: {  	v1 =	vld [tilespmem:s26+$0x0];
	_ =	sdelay $0x4  }
0xdd: {  	v1 =	vmax.f32 v1, v2  }
0xde: {  	v2 =	vld [tilespmem:s4+$0xB8];
	[tilespmem:s4+$0xA8] =	vst v1  }
0xdf: {  	v1 =	vld [tilespmem:s26+$0x10];
	_ =	sdelay $0x4  }
0xe0: {  	v1 =	vmax.f32 v1, v2  }
0xe1: {  	[tilespmem:s4+$0xB8] =	vst v1  }
.LBB2_23:
0xe2: {  	s28 =	sadd.s32 $0x1, s28  }
0xe3: {  	p2 =	seq.s32 s28, $0x0  }
.Ltmp17:
0xe4: {  	_ = 	snop;
	(pc) =	sbr.rel @p2 .LBB2_24-.Ltmp17, $2  }
0xe5: {  	_ =	sdelay $0x2  }
0xe6: {  	s26 =	sadd.s32 $0x80, s26;
	s24 =	sadd.s32 $0x1, s24;
	s30 =	smov.u32 s31  }
.LBB2_18:
0xe7: {  	v1 =	vld.msk [tilespmem:s24+$0x0], $0x1;
	_ =	sdelay $0x4  }
0xe8: {  	(v2sf) =	vpush v1, $0x0;
	_ =	sdelay $0xe  }
0xe9: {  	s31 =	spop (v2sf)  }
0xea: {  	p2 =	sne.s32 s30, s31  }
.Ltmp18:
0xeb: {  	_ = 	snop;
	(pc) =	sbr.rel @!p2 .LBB2_19-.Ltmp18, $3  }
0xec: {  	_ =	sdelay $0x1  }
0xed: {  	s2 =	sshll.u32 s23, $0x8  }
0xee: {  	s4 =	sshra.s32 s2, $0x2  }
0xef: {  	p2 =	seq.s32 s30, s25  }
.Ltmp19:
0xf0: {  	_ = 	snop;
	(pc) =	sbr.rel @!p2 .LBB2_21-.Ltmp19, $1  }
0xf1: {  	_ =	sdelay $0x3  }
.Ltmp20:
0xf2: {  	s2 =	sadd.s32 $0x88, s4;
	(pc) =	sbr.rel .LBB2_22-.Ltmp20, $4  }
0xf3: {  	[spmem:s16] =	stream.linear.scatter [tilespmem:s2], [sflag:$0x1], $0x40, $0x38;
	[tilespmem:$0x1EF88] =	vst v63  }
0xf4: {  	_ =	swait.ge [sflag:s12], $0x40  }
0xf5: {  	[sflag:s12] =	ssyncset.done $0x0  }
0xf6: {  	[sflag:s12] =	ssyncadd.s32 $0xFFFFFFC0  }
.LBB2_21:
0xf7: {  	s2 =	sshll.u32 s29, $0x8  }
0xf8: {  	v2 =	vld [tilespmem:s4+$0x88];
	s2 =	sshra.s32 s2, $0x2  }
0xf9: {  	v1 =	vld [tilespmem:s2+$0x50C8];
	_ =	sdelay $0x4  }
0xfa: {  	v1 =	vmax.f32 v1, v2  }
0xfb: {  	v2 =	vld [tilespmem:s4+$0x98];
	[tilespmem:s4+$0x88] =	vst v1  }
0xfc: {  	v1 =	vld [tilespmem:s2+$0x50D8];
	_ =	sdelay $0x4  }
0xfd: {  	v1 =	vmax.f32 v1, v2  }
0xfe: {  	v2 =	vld [tilespmem:s4+$0xA8];
	[tilespmem:s4+$0x98] =	vst v1  }
0xff: {  	v1 =	vld [tilespmem:s2+$0x50E8];
	_ =	sdelay $0x4  }
0x100: {  	v1 =	vmax.f32 v1, v2  }
0x101: {  	v2 =	vld [tilespmem:s4+$0xB8];
	[tilespmem:s4+$0xA8] =	vst v1  }
0x102: {  	v1 =	vld [tilespmem:s2+$0x50F8];
	_ =	sdelay $0x3  }
0x103: {  	p2 =	sgt.u32 s30, $0xFFF8  }
0x104: {  	s2 =	sand.u32 @!p2 $0xFFF8, s30;
	v1 =	vmax.f32 v1, v2  }
0x105: {  	s3 =	sadd.s32 $0x88, s4;
	s2 =	sadd.s32 @!p2 s1, s2;
	[tilespmem:s4+$0xB8] =	vst v1;
	s4 =	sand.u32 @!p2 $0x7, s30  }
0x106: {  	[hbm4b:s2+s4] =	stream.linear.scatter @!p2 [tilespmem:s3], [sflag:$0xC], $0x40, $0x38;
	[tilespmem:$0x1EF88] =	vst v63  }
0x107: {  	s2 =	simm.s32 $0x0  }
0x108: {  	s2 =	simm.s32 @!p2 $0x100  }
0x109: {  	s0 =	sadd.s32 s2, s0  }
.LBB2_22:
0x10a: {  	s2 =	sadd.s32 $0x1, s23  }
0x10b: {  	s3 =	smulhi.u32 $0xCCCCCCCD, s2;
	_ =	sdelay $0x1  }
0x10c: {  	v1 =	vld [tilespmem:s26+$0xFFFFFFE0];
	s3 =	sshrl.u32 s3, $0x8  }
0x10d: {  	s3 =	smul.u32 $0x140, s3;
	_ =	sdelay $0x1  }
0x10e: {  	s23 =	ssub.s32 s2, s3  }
0x10f: {  	s2 =	sshll.u32 s23, $0x6  }
0x110: {  	[tilespmem:s2+$0x88] =	vst v1  }
0x111: {  	v1 =	vld [tilespmem:s26+$0xFFFFFFF0];
	_ =	sdelay $0x4  }
0x112: {  	[tilespmem:s2+$0x98] =	vst v1  }
0x113: {  	v1 =	vld [tilespmem:s26+$0x0];
	_ =	sdelay $0x4  }
0x114: {  	[tilespmem:s2+$0xA8] =	vst v1  }
0x115: {  	v1 =	vld [tilespmem:s26+$0x10]  }
.Ltmp21:
0x116: {  	_ = 	snop;
	(pc) =	sbr.rel .LBB2_23-.Ltmp21, $2  }
0x117: {  	_ =	sdelay $0x2  }
0x118: {  	s29 =	sadd.s32 $0x1, s29;
	[tilespmem:s2+$0xB8] =	vst v1  }
.LBB2_25:
.Ltmp22:
0x119: {  	(pc) =	sbr.rel .LBB2_26-.Ltmp22, $4  }
0x11a: {  	_ = 	snop  }
0x11b: {  	s0 =	simm.s32 $0x2  }
0x11c: {  	_ =	swait.ge [sflag:s0], $0x0  }
0x11d: {  	s31 =	smov.u32 s30;
	[sflag:s0] =	ssyncset.done $0x0;
	s0 =	simm.s32 $0x0  }
.LBB2_28:
0x11e: {  	_ =	sfence.sel $0x180000  }
0x11f: {  	s0 =	simm.s32 $0x9;
	[bflag:$0x0] =	sbarrier.arrive $0xFFFF  }
0x120: {  	s24 =	simm.s32 $0xA;
	[sflag:s0] =	ssyncpa.u1 $0x1  }
0x121: {  	s25 =	simm.s32 $0xB;
	[sflag:s24] =	ssyncpa.u1 $0x1  }
0x122: {  	s26 =	simm.s32 $0x2;
	[sflag:s25] =	ssyncpa.u1 $0x1  }
0x123: {  	[sflag:s26] =	ssyncpa.u1 $0x1  }
0x124: {  	v0 =	vld [tilespmem:$0xA108];
	_ =	sdelay $0x4  }
0x125: {  	(v2sf) =	vpush v0, $0x0  }
0x126: {  	(v2sf) =	vpush v0, $0x1;
	_ =	sdelay $0x1  }
0x127: {  	(v2sf) =	vpush v0, $0x2;
	_ =	sdelay $0xb  }
0x128: {  	s0 =	spop (v2sf)  }
0x129: {  	s2 =	spop (v2sf)  }
0x12a: {  	s3 =	smov.u32 s0;
	p0 =	sne.s32 s0, s2  }
0x12b: {  	s4 =	spop (v2sf);
	s3 =	simm.s32 @!p0 $0xFFFFFFFF  }
0x12c: {  	v2 =	vimm.s32 $0x1;
	v3 =	vlaneseq.u32;
	p0 =	seq.s32 s4, $0xFFFFFFFF;
	v1 =	vmov s3  }
0x12d: {  	s15 =	stileid.u32;
	v0 =	vperm.xlane v0, v2;
	p1 =	sne.s32 @!p0 s0, s2;
	v1 =	vperm.xlane v1, v3  }
0x12e: {  	vm0 =	vcmask $0x3F04;
	s6 =	simm.s32 $0xA108;
	s0 =	simm.s32 @!p0 $0x1;
	p1 =	por !p1, p0  }
0x12f: {  	s3 =	sshll.u32 s15, $0x1;
	s2 =	sshll.u32 @!p0 s4, $0x8;
	s0 =	simm.s32 @p1 $0x0;
	v0 =	vsel vm0, v1, v0  }
0x130: {  	s5 =	sor.u32 $0x800, s3;
	s2 =	sshra.s32 @!p0 s2, $0x2;
	s0 =	sor.u32 @!p0 s0, s3;
	[tilespmem:$0xA108] =	vst v0  }
0x131: {  	[spmem:s5] =	stream.linear.scatter [tilespmem:s6], [sflag:$0x1], $0x2, $0x38;
	[tilespmem:$0x1EF88] =	vst v63  }
0x132: {  	s2 =	sadd.s32 @!p0 $0x88, s2;
	s0 =	sshll.u32 @!p0 s0, $0x6  }
0x133: {  	[spmem:s0] =	stream.linear.scatter @!p0 [tilespmem:s2], [sflag:$0x1], $0x40, $0x38;
	[tilespmem:$0x1EF88] =	vst v63  }
0x134: {  	s0 =	simm.s32 @!p0 $0x42  }
0x135: {  	s28 =	simm.s32 $0x1;
	s0 =	simm.s32 @p0 $0x2  }
0x136: {  	_ =	swait.ge [sflag:s28], s0  }
0x137: {  	s0 =	ssub.s32 $0x0, s0;
	[sflag:s28] =	ssyncset.done $0x0  }
0x138: {  	p0 =	sne.s32 s15, $0x0;
	[sflag:s28] =	ssyncadd.s32 s0  }
.Ltmp23:
0x139: {  	_ =	sfence.stream.spmem;
	(pc) =	sbr.rel @p0 .LBB2_45-.Ltmp23, $4  }
0x13a: {  	s29 =	simm.s32 $0x3;
	[bflag:$0x0] =	sbarrier.arrive $0xFFFF  }
0x13b: {  	s30 =	simm.s32 $0x4;
	[sflag:s29] =	ssyncpa.u1 $0x1  }
0x13c: {  	s31 =	simm.s32 $0x3C;
	[sflag:s30] =	ssyncpa.u1 $0x1  }
0x13d: {  	s14 =	rddreg [dreg:$0x4];
	[sflag:s31] =	ssyncpa.u1 $0x1  }
0x13e: {  	_ =	sfence.stream.spmem;
	s0 =	simm.s32 $0x5  }
0x13f: {  	s2 =	simm.s32 $0x800;
	s3 =	simm.s32 $0xA118;
	[sflag:s0] =	ssyncpa.u1 $0x0  }
0x140: {  	[tilespmem:s3], [sflag:$0x5] =	stream.linear.gather [spmem:s2], $0x20, $0x38;
	[tilespmem:$0x1EF88] =	vst v63  }
0x141: {  	s26 =	simm.s32 $0x0;
	s28 =	simm.s32 $0xA138  }
0x142: {  	[tilespmem:s28], [sflag:$0x5] =	stream.linear.gather [spmem:s26], $0x800, $0x38;
	[tilespmem:$0x1EF88] =	vst v63  }
0x143: {  	_ =	swait.ge [sflag:s0], $0x820  }
0x144: {  	[sflag:s0] =	ssyncset.done $0x0  }
0x145: {  	s29 =	simm.s32 $0x0;
	[sflag:s0] =	ssyncadd.s32 $0xFFFFF7E0  }
0x146: {  	v0 =	vld.msk [tilespmem:s29+$0xA118], $0x1;
	_ =	sdelay $0x1  }
0x147: {  	s30 =	simm.s32 $0x1  }
0x148: {  	v1 =	vld.msk [tilespmem:s30+$0xA118], $0x1;
	_ =	sdelay $0x1  }
0x149: {  	(v2sf) =	vpush v0, $0x0;
	_ =	sdelay $0x2  }
0x14a: {  	(v2sf) =	vpush v1, $0x0;
	_ =	sdelay $0x2  }
0x14b: {  	s31 =	simm.s32 $0x2  }
0x14c: {  	v0 =	vld.msk [tilespmem:s31+$0xA118], $0x1;
	_ =	sdelay $0x2  }
0x14d: {  	s4 =	simm.s32 $0xFFFFFFFF;
	s2 =	simm.s32 $0xFFFFFFFF;
	s0 =	simm.s32 $0xC  }
.LBB2_30:
0x14e: {  	s3 =	smov.u32 s4;
	s5 =	smov.u32 s2  }
0x14f: {  	s2 =	sshra.s32 s0, $0x2;
	p1 =	sne.s32 s0, $0x7C;
	s0 =	sadd.s32 $0x4, s0;
	(v2sf) =	vpush v0, $0x0  }
0x150: {  	v0 =	vld.msk [tilespmem:s2+$0xA118], $0x1  }
.Ltmp24:
0x151: {  	(pc) =	sbr.rel @p1 .LBB2_30-.Ltmp24, $4  }
0x152: {  	s4 =	spop (v2sf)  }
0x153: {  	p2 =	sne.s32 s5, $0xFFFFFFFF;
	s2 =	smov.u32 s4  }
0x154: {  	p3 =	seq.s32 s4, $0xFFFFFFFF;
	s2 =	smov.u32 @p2 s5  }
0x155: {  	s4 =	smov.u32 @p3 s3;
	s2 =	smov.u32 @p3 s5  }
0x156: {  	(v2sf) =	vpush v0, $0x0;
	_ =	sdelay $0x8  }
0x157: {  	s0 =	spop (v2sf)  }
0x158: {  	p1 =	sne.s32 s2, $0xFFFFFFFF;
	s3 =	smov.u32 s0  }
0x159: {  	s9 =	simm.s32 $0x6;
	p2 =	seq.s32 s0, $0xFFFFFFFF;
	s3 =	smov.u32 @p1 s2  }
0x15a: {  	s6 =	simm.s32 $0x0;
	s3 =	smov.u32 @p2 s2;
	s2 =	spop (v2sf)  }
0x15b: {  	s0 =	smov.u32 @p2 s4;
	p1 =	sne.s32 s3, $0xFFFFFFFF;
	s5 =	smov.u32 s2  }
.Ltmp25:
0x15c: {  	p2 =	seq.s32 s2, $0xFFFFFFFF;
	s5 =	smov.u32 @p1 s3;
	(pc) =	sbr.rel .LBB2_32-.Ltmp25, $4  }
0x15d: {  	s10 =	simm.s32 $0xA0C8;
	s5 =	smov.u32 @p2 s3;
	s7 =	spop (v2sf)  }
0x15e: {  	s11 =	simm.s32 $0x0;
	p1 =	sne.s32 s5, $0xFFFFFFFF;
	s8 =	smov.u32 s7  }
0x15f: {  	s2 =	smov.u32 @p2 s0;
	p2 =	seq.s32 s7, $0xFFFFFFFF;
	s8 =	smov.u32 @p1 s5  }
0x160: {  	[sflag:s9] =	ssyncpa.u1 $0x0;
	s7 =	smov.u32 @p2 s2;
	s8 =	smov.u32 @p2 s5  }
.LBB2_38:
0x161: {  	p1 =	sgt.u32 s0, $0xFFF8  }
0x162: {  	p2 =	seq.s32 @!p1 s0, s8  }
0x163: {  	p1 =	por p1, p2  }
0x164: {  	p2 =	sne.s32 @!p1 s0, s7  }
0x165: {  	p1 =	por p1, !p2  }
0x166: {  	s0 =	sshll.u32 @p1 s11, $0x8  }
0x167: {  	s2 =	sand.u32 @!p1 $0xFFF8, s0  }
0x168: {  	s0 =	sand.u32 @!p1 $0x7, s0;
	s2 =	sadd.s32 @!p1 s1, s2  }
0x169: {  	[tilespmem:s10], [sflag:$0x6] =	stream.linear.gather @!p1 [hbm4b:s2+s0], $0x40, $0x38;
	[tilespmem:$0x1EF88] =	vst v63  }
0x16a: {  	_ =	swait.ge @!p1 [sflag:s9], $0x40  }
0x16b: {  	[sflag:s9] =	ssyncset.done @!p1 $0x0  }
0x16c: {  	s0 =	sshll.u32 @!p1 s11, $0x8;
	[sflag:s9] =	ssyncadd.s32 @!p1 $0xFFFFFFC0  }
0x16d: {  	s2 =	sshrl.u32 @!p1 s0, $0x2;
	v1 =	vld @!p1 [tilespmem:$0xA0C8]  }
0x16e: {  	v2 =	vld @!p1 [tilespmem:s2+$0xA138];
	_ =	sdelay $0x4  }
0x16f: {  	v1 =	vmax.f32 @!p1 v1, v2  }
0x170: {  	v2 =	vld @!p1 [tilespmem:s2+$0xA148];
	[tilespmem:s2+$0xA138] =	vst @!p1 v1  }
0x171: {  	v1 =	vld @!p1 [tilespmem:$0xA0D8];
	_ =	sdelay $0x4  }
0x172: {  	v1 =	vmax.f32 @!p1 v1, v2  }
0x173: {  	v2 =	vld @!p1 [tilespmem:s2+$0xA158];
	[tilespmem:s2+$0xA148] =	vst @!p1 v1  }
0x174: {  	v1 =	vld @!p1 [tilespmem:$0xA0E8];
	_ =	sdelay $0x4  }
0x175: {  	v1 =	vmax.f32 @!p1 v1, v2  }
0x176: {  	v2 =	vld @!p1 [tilespmem:s2+$0xA168];
	[tilespmem:s2+$0xA158] =	vst @!p1 v1  }
0x177: {  	v1 =	vld @!p1 [tilespmem:$0xA0F8];
	_ =	sdelay $0x4  }
0x178: {  	v1 =	vmax.f32 @!p1 v1, v2  }
0x179: {  	[tilespmem:s2+$0xA168] =	vst @!p1 v1  }
0x17a: {  	s0 =	sshrl.u32 s0, $0x2;
	[tilespmem:s6+$0xA118] =	vst.msk $0x1, v0  }
0x17b: {  	v0 =	vld [tilespmem:s0+$0xA138];
	_ =	sdelay $0x2  }
0x17c: {  	s31 =	sshll.u32 s6, $0x8  }
0x17d: {  	s2 =	sshra.s32 s31, $0x2  }
0x17e: {  	[tilespmem:s2+$0xA138] =	vst v0  }
0x17f: {  	v0 =	vld [tilespmem:s0+$0xA148];
	_ =	sdelay $0x4  }
0x180: {  	[tilespmem:s2+$0xA148] =	vst v0  }
0x181: {  	v0 =	vld [tilespmem:s0+$0xA158];
	_ =	sdelay $0x4  }
0x182: {  	[tilespmem:s2+$0xA158] =	vst v0  }
0x183: {  	v0 =	vld [tilespmem:s0+$0xA168];
	_ =	sdelay $0x4  }
0x184: {  	s6 =	sadd.s32 $0x1, s6;
	[tilespmem:s2+$0xA168] =	vst v0  }
.LBB2_39:
0x185: {  	s11 =	sadd.s32 $0x1, s11  }
0x186: {  	p1 =	sne.s32 s11, $0x20  }
.Ltmp26:
0x187: {  	_ = 	snop;
	(pc) =	sbr.rel @!p1 .LBB2_40-.Ltmp26, $1  }
0x188: {  	_ =	sdelay $0x3  }
.LBB2_32:
0x189: {  	v0 =	vld.msk [tilespmem:s11+$0xA118], $0x1;
	_ =	sdelay $0x4  }
0x18a: {  	(v2sf) =	vpush v0, $0x0;
	_ =	sdelay $0xe  }
0x18b: {  	s0 =	spop (v2sf)  }
0x18c: {  	p1 =	seq.s32 s0, $0xFFFFFFFF  }
.Ltmp27:
0x18d: {  	_ = 	snop;
	(pc) =	sbr.rel @p1 .LBB2_39-.Ltmp27, $1  }
0x18e: {  	_ =	sdelay $0x3  }
0x18f: {  	p1 =	slt.s32 s6, $0x1  }
.Ltmp28:
0x190: {  	_ = 	snop;
	(pc) =	sbr.rel @p1 .LBB2_38-.Ltmp28, $1  }
0x191: {  	_ =	sdelay $0x3  }
0x192: {  	s12 =	simm.s32 $0xA118;
	p1 =	por $0x0, $0x0  }
0x193: {  	v1 =	vld.msk @!p1 [tilespmem:s12+$0x0], $0x1;
	_ =	sdelay $0x4  }
0x194: {  	(v2sf) =	vpush @!p1 v1, $0x0;
	_ =	sdelay $0xd  }
0x195: {  	p3 =	sne.s32 s6, $0x1  }
.Ltmp29:
0x196: {  	s2 =	spop @!p1 (v2sf);
	(pc) =	sbr.rel @!p3 .LBB2_36-.Ltmp29, $4  }
0x197: {  	p2 =	seq.s32 @!p1 s0, s2  }
0x198: {  	s13 =	simm.s32 $0x0;
	p2 =	por !p2, p1  }
0x199: {  	s2 =	simm.s32 $0xFFFFFFFF;
	s13 =	simm.s32 @p2 $0xFFFFFFFF  }
0x19a: {  	s4 =	simm.s32 $0x1;
	s13 =	smov.u32 @p1 s2  }
.LBB2_35:
0x19b: {  	s2 =	smov.u32 s13;
	p1 =	sne.s32 s13, $0xFFFFFFFF  }
0x19c: {  	s12 =	sadd.s32 $0x1, s12;
	s13 =	smov.u32 s4;
	s4 =	sadd.s32 $0x1, s4  }
0x19d: {  	p2 =	sne.s32 s6, s4;
	v1 =	vld.msk @!p1 [tilespmem:s12+$0x0], $0x1;
	_ =	sdelay $0x4  }
0x19e: {  	(v2sf) =	vpush @!p1 v1, $0x0;
	_ =	sdelay $0xe  }
.Ltmp30:
0x19f: {  	s3 =	spop @!p1 (v2sf);
	(pc) =	sbr.rel @p2 .LBB2_35-.Ltmp30, $4  }
0x1a0: {  	p3 =	seq.s32 @!p1 s0, s3  }
0x1a1: {  	p3 =	por !p3, p1  }
0x1a2: {  	s13 =	simm.s32 @p3 $0xFFFFFFFF  }
0x1a3: {  	s13 =	smov.u32 @p1 s2  }
.LBB2_36:
0x1a4: {  	p1 =	seq.s32 s13, $0xFFFFFFFF  }
.Ltmp31:
0x1a5: {  	_ = 	snop;
	(pc) =	sbr.rel @p1 .LBB2_38-.Ltmp31, $1  }
0x1a6: {  	_ =	sdelay $0x3  }
0x1a7: {  	s0 =	sshll.u32 s11, $0x6  }
0x1a8: {  	s2 =	sshll.u32 s13, $0x8;
	s0 =	sand.u32 $0x3FFFFFC0, s0  }
0x1a9: {  	s2 =	sshra.s32 s2, $0x2;
	v0 =	vld [tilespmem:s0+$0xA138]  }
0x1aa: {  	v1 =	vld [tilespmem:s2+$0xA138];
	_ =	sdelay $0x4  }
0x1ab: {  	v0 =	vmax.f32 v0, v1  }
0x1ac: {  	v61 =	vld [tilespmem:s2+$0xA148];
	[tilespmem:s2+$0xA138] =	vst v0  }
0x1ad: {  	v0 =	vld [tilespmem:s0+$0xA148];
	_ =	sdelay $0x4  }
0x1ae: {  	v0 =	vmax.f32 v0, v61  }
0x1af: {  	v62 =	vld [tilespmem:s2+$0xA158];
	[tilespmem:s2+$0xA148] =	vst v0  }
0x1b0: {  	v0 =	vld [tilespmem:s0+$0xA158];
	_ =	sdelay $0x4  }
0x1b1: {  	v0 =	vmax.f32 v0, v62  }
0x1b2: {  	v63 =	vld [tilespmem:s2+$0xA168];
	[tilespmem:s2+$0xA158] =	vst v0  }
0x1b3: {  	v0 =	vld [tilespmem:s0+$0xA168];
	_ =	sdelay $0x1  }
.Ltmp32:
0x1b4: {  	_ = 	snop;
	(pc) =	sbr.rel .LBB2_39-.Ltmp32, $3  }
0x1b5: {  	_ =	sdelay $0x1  }
0x1b6: {  	v0 =	vmax.f32 v0, v63  }
0x1b7: {  	[tilespmem:s2+$0xA168] =	vst v0  }
.LBB2_40:
0x1b8: {  	s0 =	simm.s32 $0x6;
	p1 =	seq.s32 s6, $0x0  }
0x1b9: {  	[sflag:s0] =	ssyncpa.u1 $0x1;
	v0 =	vimm.s32 @p1 $0xFFFFFFFF  }
0x1ba: {  	s0 =	sadd.s32 $0xFFFFFFFF, s6;
	[tilespmem:$0xA938] =	vst @p1 v0  }
0x1bb: {  	v0 =	vld.msk @!p1 [tilespmem:s0+$0xA118], $0x1;
	_ =	sdelay $0x1  }
0x1bc: {  	v1 =	vld.msk @!p1 [tilespmem:$0xA118], $0x1;
	_ =	sdelay $0x2  }
0x1bd: {  	p2 =	seq.s32 @!p1 s0, $0x0;
	v0 =	vbroadcast @!p1 v0, $0x0  }
0x1be: {  	vm0 =	vmmov @!p1 $0x1;
	p2 =	por !p2, p1  }
0x1bf: {  	v1 =	vnsel @!p1 vm0, $0xFFFFFFFF, v1;
	vm0 =	vcmask @!p1 $0x308;
	v0 =	vpsel !p2, $0xFFFFFFFF, v0  }
0x1c0: {  	p2 =	sne.s32 @!p1 s8, s7;
	v0 =	vsel @!p1 vm0, v1, v0  }
0x1c1: {  	s2 =	simm.s32 @!p1 $0xA138;
	s3 =	simm.s32 @!p1 $0x0;
	p3 =	por !p2, p1;
	[tilespmem:$0xA938] =	vst @!p1 v0  }
0x1c2: {  	[spmem:s3] =	stream.linear.scatter @!p1 [tilespmem:s2], [sflag:$0x1], $0x40, $0x38;
	[tilespmem:$0x1EF88] =	vst v63  }
0x1c3: {  	s2 =	sshll.u32 @!p3 s0, $0x8  }
0x1c4: {  	s2 =	sshra.s32 @!p3 s2, $0x2  }
0x1c5: {  	s3 =	simm.s32 @!p3 $0x40;
	s2 =	sadd.s32 @!p3 $0xA138, s2  }
0x1c6: {  	[spmem:s3] =	stream.linear.scatter @!p3 [tilespmem:s2], [sflag:$0x1], $0x40, $0x38;
	[tilespmem:$0x1EF88] =	vst v63  }
0x1c7: {  	s2 =	simm.s32 @!p3 $0x1  }
0x1c8: {  	_ =	swait.ge @!p3 [sflag:s2], $0x80  }
0x1c9: {  	p1 =	por p2, p1;
	[sflag:s2] =	ssyncset.done @!p3 $0x0  }
0x1ca: {  	[sflag:s2] =	ssyncadd.s32 @!p3 $0xFFFFFF80;
	s2 =	simm.s32 @!p1 $0x1  }
0x1cb: {  	_ =	swait.ge @!p1 [sflag:s2], $0x40  }
0x1cc: {  	s29 =	simm.s32 $0xA938;
	[sflag:s2] =	ssyncset.done @!p1 $0x0  }
0x1cd: {  	s30 =	simm.s32 $0x800;
	s31 =	simm.s32 $0x1;
	[sflag:s2] =	ssyncadd.s32 @!p1 $0xFFFFFFC0  }
0x1ce: {  	[spmem:s30] =	stream.linear.scatter [tilespmem:s29], [sflag:$0x1], $0x10, $0x38;
	[tilespmem:$0x1EF88] =	vst v63  }
0x1cf: {  	_ =	swait.ge [sflag:s31], $0x10  }
0x1d0: {  	[sflag:s31] =	ssyncset.done $0x0  }
0x1d1: {  	p1 =	seq.s32 s14, $0x0;
	s9 =	rddreg [dreg:$0x1];
	[sflag:s31] =	ssyncadd.s32 $0xFFFFFFF0  }
0x1d2: {  	s3 =	sshll.u32 @p1 s9, $0xE;
	s8 =	rddreg [dreg:$0x2]  }
0x1d3: {  	s2 =	sadd.s32 @p1 $0x15C3C, s3;
	s3 =	sshll.u32 @p1 s8, $0x11  }
0x1d4: {  	_ =	sfence.stream.spmem;
	s2 =	sor.u32 @p1 s3, s2  }
0x1d5: {  	[sflag:s2] =	ssyncadd.remote.s32 @p1 $0x1;
	s2 =	simm.s32 @p1 $0x4  }
0x1d6: {  	s4 =	simm.s32 @!p1 $0x3C;
	s3 =	sand.u32 $0xFFFFFFFE, s9;
	_ =	swait.ge @p1 [sflag:s2], $0x12  }
0x1d7: {  	s5 =	simm.s32 @!p1 $0x0;
	s3 =	sadd.s32 @!p1 $0x4, s3;
	[sflag:s2] =	ssyncset.done @p1 $0x0  }
0x1d8: {  	s7 =	simm.s32 @!p1 $0x80;
	[sflag:s2] =	ssyncadd.s32 @p1 $0xFFFFFFEE;
	s2 =	sshll.u32 @!p1 s3, $0x1A  }
0x1d9: {  	s3 =	sshll.u32 @!p1 s3, $0xD;
	s2 =	sor.u32 @!p1 s2, s8;
	_ =	swait.eq @!p1 [sflag:s4], $0x1  }
0x1da: {  	s3 =	sor.u32 @!p1 $0x1C04, s3;
	s4 =	simm.s32 @!p1 $0x1C03;
	s2 =	sor.u32 @!p1 $0x80004000, s2  }
0x1db: {  	[spmem:s7], [sflag:s3] =	dma.general @!p1 [spmem:s5], [sflag:s4], length:$0x10, [dreg:$0x0], stride_count:$0x0, ici_dest:s2, dma_misc:DstOpCode:WRITE  }
0x1dc: {  	p2 =	slt.s32 s0, $0x2;
	s5 =	simm.s32 @!p1 $0x100;
	s7 =	simm.s32 @!p1 $0x102  }
0x1dd: {  	[spmem:s7], [sflag:s3] =	dma.general @!p1 [spmem:s5], [sflag:s4], length:$0x2, [dreg:$0x0], stride_count:$0x0, ici_dest:s2, dma_misc:DstOpCode:WRITE  }
.Ltmp33:
0x1de: {  	s2 =	simm.s32 @!p1 $0x3;
	(pc) =	sbr.rel @p2 .LBB2_44-.Ltmp33, $4  }
0x1df: {  	s3 =	sshll.u32 @!p1 s9, $0xE;
	_ =	swait.ge @!p1 [sflag:s2], $0x12  }
0x1e0: {  	s4 =	sshll.u32 @!p1 s8, $0x11;
	s3 =	sadd.s32 @!p1 $0x11C3C, s3;
	[sflag:s2] =	ssyncset.done @!p1 $0x0  }
0x1e1: {  	[sflag:s2] =	ssyncadd.s32 @!p1 $0xFFFFFFEE;
	s2 =	sor.u32 @!p1 s4, s3  }
0x1e2: {  	s0 =	simm.s32 $0x0;
	[sflag:s2] =	ssyncadd.remote.s32 @!p1 $0xFFFFFFFF  }
0x1e3: {  	s0 =	simm.s32 $0xA119  }
0x1e4: {  	v0 =	vld.msk [tilespmem:s0+$0x0], $0x1;
	_ =	sdelay $0x4  }
0x1e5: {  	(v2sf) =	vpush v0, $0x0;
	_ =	sdelay $0xd  }
0x1e6: {  	s3 =	sadd.s32 $0xFFFFFFFE, s6  }
0x1e7: {  	s4 =	sadd.s32 $0xFFFFFFFF, s3;
	s2 =	spop (v2sf)  }
0x1e8: {  	p2 =	sne.s32 s4, $0x0;
	p1 =	sgt.u32 s2, $0xFFF8  }
.Ltmp34:
0x1e9: {  	s5 =	sand.u32 @!p1 $0xFFF8, s2;
	(pc) =	sbr.rel @!p2 .LBB2_43-.Ltmp34, $4  }
0x1ea: {  	s0 =	simm.s32 $0xA178;
	s2 =	sand.u32 @!p1 $0x7, s2;
	s3 =	sadd.s32 @!p1 s1, s5  }
0x1eb: {  	[hbm4b:s3+s2] =	stream.linear.scatter @!p1 [tilespmem:s0], [sflag:$0x5], $0x40, $0x38;
	[tilespmem:$0x1EF88] =	vst v63  }
0x1ec: {  	s2 =	simm.s32 $0x0  }
0x1ed: {  	s6 =	simm.s32 $0xA11A;
	s5 =	simm.s32 $0x0;
	s2 =	simm.s32 @!p1 $0x100  }
.LBB2_42:
0x1ee: {  	v0 =	vld.msk [tilespmem:s6+$0x0], $0x1;
	s4 =	sadd.s32 $0xFFFFFFFF, s4;
	s5 =	sadd.s32 s5, s2  }
0x1ef: {  	p1 =	sne.s32 s4, $0x0;
	_ =	sdelay $0x3  }
0x1f0: {  	(v2sf) =	vpush v0, $0x0;
	_ =	sdelay $0xe  }
.Ltmp35:
0x1f1: {  	s3 =	spop (v2sf);
	(pc) =	sbr.rel @p1 .LBB2_42-.Ltmp35, $4  }
0x1f2: {  	s2 =	simm.s32 $0x0;
	p2 =	sgt.u32 s3, $0xFFF8  }
0x1f3: {  	s0 =	sadd.s32 $0x40, s0;
	s2 =	simm.s32 @!p2 $0x100;
	s7 =	sand.u32 @!p2 $0xFFF8, s3  }
0x1f4: {  	s6 =	sadd.s32 $0x1, s6;
	s3 =	sand.u32 @!p2 $0x7, s3;
	s7 =	sadd.s32 @!p2 s1, s7  }
0x1f5: {  	[hbm4b:s7+s3] =	stream.linear.scatter @!p2 [tilespmem:s0], [sflag:$0x5], $0x40, $0x38;
	[tilespmem:$0x1EF88] =	vst v63  }
.LBB2_43:
0x1f6: {  	s0 =	sadd.s32 s5, s2  }
0x1f7: {  	s0 =	sshrl.u32 s0, $0x2  }
.LBB2_44:
0x1f8: {  	s2 =	simm.s32 $0x5  }
0x1f9: {  	_ =	swait.ge [sflag:s2], s0  }
0x1fa: {  	s31 =	ssub.s32 $0x0, s0;
	[sflag:s2] =	ssyncset.done $0x0  }
0x1fb: {  	[sflag:s2] =	ssyncadd.s32 s31  }
0x1fc: {  	[sflag:s2] =	ssyncpa.u1 $0x1  }
.LBB2_45:
0x1fd: {  	s0 =	sor.u32 s14, s15  }
0x1fe: {  	p1 =	sne.s32 s0, $0x0  }
.Ltmp36:
0x1ff: {  	_ = 	snop;
	(pc) =	sbr.rel @p1 .LBB2_60-.Ltmp36, $3  }
0x200: {  	_ =	sdelay $0x1  }
0x201: {  	[bflag:$0x0] =	sbarrier.arrive $0xFFFF  }
0x202: {  	_ =	sfence  }
0x203: {  	s0 =	simm.s32 $0x7  }
0x204: {  	s2 =	simm.s32 $0x800;
	s3 =	simm.s32 $0xA118;
	[sflag:s0] =	ssyncpa.u1 $0x0  }
0x205: {  	[tilespmem:s3], [sflag:$0x7] =	stream.linear.gather [spmem:s2], $0x20, $0x38;
	[tilespmem:$0x1EF88] =	vst v63  }
0x206: {  	s30 =	simm.s32 $0xA138;
	s2 =	simm.s32 $0x0  }
0x207: {  	[tilespmem:s30], [sflag:$0x7] =	stream.linear.gather [spmem:s2], $0x800, $0x38;
	[tilespmem:$0x1EF88] =	vst v63  }
.Ltmp37:
0x208: {  	_ = 	snop;
	(pc) =	sbr.rel .LBB2_47-.Ltmp37, $4  }
0x209: {  	_ =	swait.ge [sflag:s0], $0x820  }
0x20a: {  	[sflag:s0] =	ssyncset.done $0x0  }
0x20b: {  	s31 =	simm.s32 $0x8;
	[sflag:s0] =	ssyncadd.s32 $0xFFFFF7E0  }
0x20c: {  	s3 =	simm.s32 $0x0;
	[sflag:s31] =	ssyncpa.u1 $0x0  }
.LBB2_53:
0x20d: {  	p1 =	slt.u32 s0, $0xFFF9  }
0x20e: {  	s4 =	sand.u32 @p1 $0xFFF8, s0  }
0x20f: {  	s0 =	sand.u32 @p1 $0x7, s0;
	s5 =	simm.s32 @p1 $0xA0C8;
	s4 =	sadd.s32 @p1 s1, s4  }
0x210: {  	[tilespmem:s5], [sflag:$0x8] =	stream.linear.gather @p1 [hbm4b:s4+s0], $0x40, $0x38;
	[tilespmem:$0x1EF88] =	vst v63  }
0x211: {  	s0 =	simm.s32 @p1 $0x8  }
0x212: {  	_ =	swait.ge @p1 [sflag:s0], $0x40  }
0x213: {  	[sflag:s0] =	ssyncset.done @p1 $0x0  }
0x214: {  	[sflag:s0] =	ssyncadd.s32 @p1 $0xFFFFFFC0;
	s0 =	sshll.u32 @p1 s3, $0x8  }
0x215: {  	s4 =	sshrl.u32 @p1 s0, $0x2;
	v1 =	vld @p1 [tilespmem:$0xA0C8]  }
0x216: {  	v2 =	vld @p1 [tilespmem:s4+$0xA138];
	_ =	sdelay $0x4  }
0x217: {  	v1 =	vmax.f32 @p1 v1, v2  }
0x218: {  	v2 =	vld @p1 [tilespmem:s4+$0xA148];
	[tilespmem:s4+$0xA138] =	vst @p1 v1  }
0x219: {  	v1 =	vld @p1 [tilespmem:$0xA0D8];
	_ =	sdelay $0x4  }
0x21a: {  	v1 =	vmax.f32 @p1 v1, v2  }
0x21b: {  	v2 =	vld @p1 [tilespmem:s4+$0xA158];
	[tilespmem:s4+$0xA148] =	vst @p1 v1  }
0x21c: {  	v1 =	vld @p1 [tilespmem:$0xA0E8];
	_ =	sdelay $0x4  }
0x21d: {  	v1 =	vmax.f32 @p1 v1, v2  }
0x21e: {  	v2 =	vld @p1 [tilespmem:s4+$0xA168];
	[tilespmem:s4+$0xA158] =	vst @p1 v1  }
0x21f: {  	v1 =	vld @p1 [tilespmem:$0xA0F8];
	_ =	sdelay $0x4  }
0x220: {  	s5 =	sshll.u32 @!p1 s3, $0x8;
	v1 =	vmax.f32 @p1 v1, v2  }
0x221: {  	s5 =	smov.u32 @p1 s0;
	[tilespmem:s4+$0xA168] =	vst @p1 v1  }
0x222: {  	s0 =	sshrl.u32 s5, $0x2;
	[tilespmem:s2+$0xA118] =	vst.msk $0x1, v0  }
0x223: {  	v0 =	vld [tilespmem:s0+$0xA138];
	_ =	sdelay $0x2  }
0x224: {  	s31 =	sshll.u32 s2, $0x8  }
0x225: {  	s4 =	sshra.s32 s31, $0x2  }
0x226: {  	[tilespmem:s4+$0xA138] =	vst v0  }
0x227: {  	v0 =	vld [tilespmem:s0+$0xA148];
	_ =	sdelay $0x4  }
0x228: {  	[tilespmem:s4+$0xA148] =	vst v0  }
0x229: {  	v0 =	vld [tilespmem:s0+$0xA158];
	_ =	sdelay $0x4  }
0x22a: {  	[tilespmem:s4+$0xA158] =	vst v0  }
0x22b: {  	v0 =	vld [tilespmem:s0+$0xA168];
	_ =	sdelay $0x4  }
0x22c: {  	s2 =	sadd.s32 $0x1, s2;
	[tilespmem:s4+$0xA168] =	vst v0  }
.LBB2_54:
0x22d: {  	s3 =	sadd.s32 $0x1, s3  }
0x22e: {  	p1 =	sne.s32 s3, $0x20  }
.Ltmp38:
0x22f: {  	_ = 	snop;
	(pc) =	sbr.rel @!p1 .LBB2_55-.Ltmp38, $1  }
0x230: {  	_ =	sdelay $0x3  }
.LBB2_47:
0x231: {  	v0 =	vld.msk [tilespmem:s3+$0xA118], $0x1;
	_ =	sdelay $0x4  }
0x232: {  	(v2sf) =	vpush v0, $0x0;
	_ =	sdelay $0xe  }
0x233: {  	s0 =	spop (v2sf)  }
0x234: {  	p1 =	seq.s32 s0, $0xFFFFFFFF  }
.Ltmp39:
0x235: {  	_ = 	snop;
	(pc) =	sbr.rel @p1 .LBB2_54-.Ltmp39, $1  }
0x236: {  	_ =	sdelay $0x3  }
0x237: {  	p1 =	slt.s32 s2, $0x1  }
.Ltmp40:
0x238: {  	_ = 	snop;
	(pc) =	sbr.rel @p1 .LBB2_53-.Ltmp40, $1  }
0x239: {  	_ =	sdelay $0x3  }
0x23a: {  	s4 =	simm.s32 $0xA118;
	p1 =	por $0x0, $0x0  }
0x23b: {  	v1 =	vld.msk @!p1 [tilespmem:s4+$0x0], $0x1;
	_ =	sdelay $0x4  }
0x23c: {  	(v2sf) =	vpush @!p1 v1, $0x0;
	_ =	sdelay $0xd  }
0x23d: {  	p3 =	sne.s32 s2, $0x1  }
.Ltmp41:
0x23e: {  	s5 =	spop @!p1 (v2sf);
	(pc) =	sbr.rel @!p3 .LBB2_51-.Ltmp41, $4  }
0x23f: {  	p2 =	seq.s32 @!p1 s0, s5  }
0x240: {  	s5 =	simm.s32 $0x0;
	p2 =	por !p2, p1  }
0x241: {  	s7 =	simm.s32 $0xFFFFFFFF;
	s5 =	simm.s32 @p2 $0xFFFFFFFF  }
0x242: {  	s6 =	simm.s32 $0x1;
	s5 =	smov.u32 @p1 s7  }
.LBB2_50:
0x243: {  	s7 =	smov.u32 s5;
	p1 =	sne.s32 s5, $0xFFFFFFFF  }
0x244: {  	s4 =	sadd.s32 $0x1, s4;
	s5 =	smov.u32 s6;
	s6 =	sadd.s32 $0x1, s6  }
0x245: {  	p2 =	sne.s32 s2, s6;
	v1 =	vld.msk @!p1 [tilespmem:s4+$0x0], $0x1;
	_ =	sdelay $0x4  }
0x246: {  	(v2sf) =	vpush @!p1 v1, $0x0;
	_ =	sdelay $0xe  }
.Ltmp42:
0x247: {  	s8 =	spop @!p1 (v2sf);
	(pc) =	sbr.rel @p2 .LBB2_50-.Ltmp42, $4  }
0x248: {  	p3 =	seq.s32 @!p1 s0, s8  }
0x249: {  	p3 =	por !p3, p1  }
0x24a: {  	s5 =	simm.s32 @p3 $0xFFFFFFFF  }
0x24b: {  	s5 =	smov.u32 @p1 s7  }
.LBB2_51:
0x24c: {  	p1 =	seq.s32 s5, $0xFFFFFFFF  }
.Ltmp43:
0x24d: {  	_ = 	snop;
	(pc) =	sbr.rel @p1 .LBB2_53-.Ltmp43, $1  }
0x24e: {  	_ =	sdelay $0x3  }
0x24f: {  	s0 =	sshll.u32 s3, $0x6  }
0x250: {  	s4 =	sshll.u32 s5, $0x8;
	s0 =	sand.u32 $0x3FFFFFC0, s0  }
0x251: {  	s4 =	sshra.s32 s4, $0x2;
	v0 =	vld [tilespmem:s0+$0xA138]  }
0x252: {  	v1 =	vld [tilespmem:s4+$0xA138];
	_ =	sdelay $0x4  }
0x253: {  	v0 =	vmax.f32 v0, v1  }
0x254: {  	v61 =	vld [tilespmem:s4+$0xA148];
	[tilespmem:s4+$0xA138] =	vst v0  }
0x255: {  	v0 =	vld [tilespmem:s0+$0xA148];
	_ =	sdelay $0x4  }
0x256: {  	v0 =	vmax.f32 v0, v61  }
0x257: {  	v62 =	vld [tilespmem:s4+$0xA158];
	[tilespmem:s4+$0xA148] =	vst v0  }
0x258: {  	v0 =	vld [tilespmem:s0+$0xA158];
	_ =	sdelay $0x4  }
0x259: {  	v0 =	vmax.f32 v0, v62  }
0x25a: {  	v63 =	vld [tilespmem:s4+$0xA168];
	[tilespmem:s4+$0xA158] =	vst v0  }
0x25b: {  	v0 =	vld [tilespmem:s0+$0xA168];
	_ =	sdelay $0x1  }
.Ltmp44:
0x25c: {  	_ = 	snop;
	(pc) =	sbr.rel .LBB2_54-.Ltmp44, $3  }
0x25d: {  	_ =	sdelay $0x1  }
0x25e: {  	v0 =	vmax.f32 v0, v63  }
0x25f: {  	[tilespmem:s4+$0xA168] =	vst v0  }
.LBB2_55:
0x260: {  	p1 =	slt.s32 s2, $0x1  }
.Ltmp45:
0x261: {  	_ = 	snop;
	(pc) =	sbr.rel @p1 .LBB2_59-.Ltmp45, $3  }
0x262: {  	_ =	sdelay $0x1  }
0x263: {  	s0 =	simm.s32 $0x8  }
0x264: {  	[sflag:s0] =	ssyncpa.u1 $0x1;
	s0 =	simm.s32 $0x0  }
0x265: {  	s3 =	simm.s32 $0xA118  }
0x266: {  	v0 =	vld.msk [tilespmem:s3+$0x0], $0x1;
	_ =	sdelay $0x4  }
0x267: {  	(v2sf) =	vpush v0, $0x0;
	_ =	sdelay $0xe  }
0x268: {  	s2 =	sadd.s32 $0xFFFFFFFF, s2;
	s4 =	spop (v2sf)  }
0x269: {  	p2 =	sne.s32 s2, $0x0;
	p1 =	sgt.u32 s4, $0xFFF8  }
.Ltmp46:
0x26a: {  	s5 =	sand.u32 @!p1 $0xFFF8, s4;
	(pc) =	sbr.rel @!p2 .LBB2_58-.Ltmp46, $4  }
0x26b: {  	s3 =	simm.s32 $0xA138;
	s4 =	sand.u32 @!p1 $0x7, s4;
	s5 =	sadd.s32 @!p1 s1, s5  }
0x26c: {  	[hbm4b:s5+s4] =	stream.linear.scatter @!p1 [tilespmem:s3], [sflag:$0x7], $0x40, $0x38;
	[tilespmem:$0x1EF88] =	vst v63  }
0x26d: {  	s5 =	simm.s32 $0x0  }
0x26e: {  	s4 =	simm.s32 $0xA119;
	s5 =	simm.s32 @!p1 $0x100  }
.LBB2_57:
0x26f: {  	v0 =	vld.msk [tilespmem:s4+$0x0], $0x1;
	s2 =	sadd.s32 $0xFFFFFFFF, s2;
	s0 =	sadd.s32 s0, s5  }
0x270: {  	p1 =	sne.s32 s2, $0x0;
	_ =	sdelay $0x3  }
0x271: {  	(v2sf) =	vpush v0, $0x0;
	_ =	sdelay $0xe  }
.Ltmp47:
0x272: {  	s6 =	spop (v2sf);
	(pc) =	sbr.rel @p1 .LBB2_57-.Ltmp47, $4  }
0x273: {  	s5 =	simm.s32 $0x0;
	p2 =	sgt.u32 s6, $0xFFF8  }
0x274: {  	s3 =	sadd.s32 $0x40, s3;
	s5 =	simm.s32 @!p2 $0x100;
	s7 =	sand.u32 @!p2 $0xFFF8, s6  }
0x275: {  	s4 =	sadd.s32 $0x1, s4;
	s6 =	sand.u32 @!p2 $0x7, s6;
	s7 =	sadd.s32 @!p2 s1, s7  }
0x276: {  	[hbm4b:s7+s6] =	stream.linear.scatter @!p2 [tilespmem:s3], [sflag:$0x7], $0x40, $0x38;
	[tilespmem:$0x1EF88] =	vst v63  }
.LBB2_58:
0x277: {  	s0 =	sadd.s32 s0, s5  }
0x278: {  	s0 =	sshrl.u32 s0, $0x2  }
.LBB2_59:
0x279: {  	s1 =	simm.s32 $0x7  }
0x27a: {  	_ =	swait.ge [sflag:s1], s0  }
0x27b: {  	s31 =	ssub.s32 $0x0, s0;
	[sflag:s1] =	ssyncset.done $0x0  }
0x27c: {  	[sflag:s1] =	ssyncadd.s32 s31  }
0x27d: {  	[sflag:s1] =	ssyncpa.u1 $0x1  }
.LBB2_60:
0x27e: {  	_ =	sfence;
	s0 =	simm.s32 $0x1  }
0x27f: {  	[sflag:s0] =	ssyncpa.u1 $0x1  }
0x280: {  	_ =	strace $0x9000004A  }
0x281: {  	[bflag:$0x2] =	sbarrier.arrive $0xFFFF  }
0x282: {  	s0 =	rddreg [dreg:$0x3]  }
0x283: {  	s0 =	sadd.s32 @!p0 $0x100000, s0  }
0x284: {  	[sflag:s0] =	ssyncadd.tile.s32 @!p0 $0x1;
	_ =	shalt  }
.Lfunc_end2:
_tile_overlayer_lowered:
.L_overlay_start_2:
0x285: {  	(tag) =	ssettag $0x2  }
0x286: {  	s0 =	rddreg [dreg:$0x0];
	s2 =	stileid.u32  }
0x287: {  	s1 =	rddreg [dreg:$0x1];
	p0 =	sne.s32 s2, $0x0  }
0x288: {  	s3 =	rddreg [dreg:$0x2];
	[bflag:$0x3] =	sbarrier.arrive $0xFFFF;
	s2 =	simm.s32 @!p0 $0x1C01  }
0x289: {  	[timem:s3], [sflag:s2] =	dma.local @!p0 [hbm:s0], s1  }
0x28a: {  	s0 =	simm.s32 @!p0 $0x1  }
0x28b: {  	_ =	swait.ge @!p0 [sflag:s0], s1  }
0x28c: {  	s1 =	ssub.s32 @!p0 $0x0, s1;
	[sflag:s0] =	ssyncset.done @!p0 $0x0  }
0x28d: {  	[sflag:s0] =	ssyncadd.s32 @!p0 s1  }
0x28e: {  	[bflag:$0x3] =	sbarrier.arrive $0xFFFF  }
0x28f: {  	_ =	shalt  }

</sc_bundles>
